<compile_context>
chip_gen: v7x
topology: tpu7x:2x2x1
jax: 0.10.2.dev20260603
libtpu: 0.0.44.dev20260713+nightly
codegen_flags: <defaults>
</compile_context>

<pallas_src>
import functools

import jax
import jax.numpy as jnp
from jax import lax
from jax.experimental import pallas as pl
from jax.experimental.pallas import tpu as pltpu
from jax.experimental.pallas import tpu_sc as plsc

D_MODEL = 1024
N_TOK = 4 * 4096
NUM_CORES = 2
NUM_SUBCORES = 16
NW = NUM_CORES * NUM_SUBCORES
TOK_PER_W = N_TOK // NW
CHUNK = 32
N_CHUNKS = TOK_PER_W // CHUNK


def _body(ids_hbm, table_hbm, out_hbm, idx_v, rows0, rows1, rows2,
          gsem0, gsem1, gsem2, wsem0, wsem1, wsem2):
    wid = lax.axis_index("s") * NUM_CORES + lax.axis_index("c")
    base = wid * TOK_PER_W
    pltpu.sync_copy(ids_hbm.at[pl.ds(base, CHUNK)], idx_v.at[pl.ds(0, CHUNK)])
    ids_rest = pltpu.async_copy(
        ids_hbm.at[pl.ds(base + CHUNK, TOK_PER_W - CHUNK)],
        idx_v.at[pl.ds(CHUNK, TOK_PER_W - CHUNK)], wsem0,
    )

    rows = (rows0, rows1, rows2)
    gsem = (gsem0, gsem1, gsem2)
    wsem = (wsem0, wsem1, wsem2)
    NB = 3
    LAG = NB - 1

    g = [None] * N_CHUNKS
    w = [None] * N_CHUNKS
    for t in range(N_CHUNKS + LAG):
        if t < N_CHUNKS:
            b = t % NB
            if t >= NB:
                w[t - NB].wait()
            if t == 1:
                ids_rest.wait()
            g[t] = pltpu.async_copy(
                table_hbm.at[idx_v.at[pl.ds(t * CHUNK, CHUNK)]],
                rows[b], gsem[b],
            )
        c = t - LAG
        if c >= 0:
            bc = c % NB
            g[c].wait()
            w[c] = pltpu.async_copy(
                rows[bc], out_hbm.at[pl.ds(base + c * CHUNK, CHUNK)], wsem[bc]
            )
    for c in range(N_CHUNKS - NB, N_CHUNKS):
        w[c].wait()


@jax.jit
def _lookup(ids_flat, embed):
    k = pl.kernel(
        _body,
        mesh=plsc.VectorSubcoreMesh(core_axis_name="c", subcore_axis_name="s"),
        out_type=jax.ShapeDtypeStruct((N_TOK, D_MODEL), jnp.float32),
        scratch_types=[
            pltpu.VMEM((TOK_PER_W,), jnp.int32),
            pltpu.VMEM((CHUNK, D_MODEL), jnp.float32),
            pltpu.VMEM((CHUNK, D_MODEL), jnp.float32),
            pltpu.VMEM((CHUNK, D_MODEL), jnp.float32),
            pltpu.SemaphoreType.DMA,
            pltpu.SemaphoreType.DMA,
            pltpu.SemaphoreType.DMA,
            pltpu.SemaphoreType.DMA,
            pltpu.SemaphoreType.DMA,
            pltpu.SemaphoreType.DMA,
        ],
    )
    return k(ids_flat, embed)


def kernel(encoder_input_ids, encoder_attention_mask, embed):
    ids_flat = encoder_input_ids.reshape(-1)
    hidden = _lookup(ids_flat, embed)
    hidden = hidden.reshape(encoder_input_ids.shape + (D_MODEL,))
    return (encoder_input_ids, encoder_attention_mask, hidden)

# --- scband reference (transcript-rebuilt; emitter-appended) ---
"""Pipeline reference for scband-t5-embedding-pipe-9620726743097 (READ-ONLY COPY).

The authoritative reference and input builder live on the scoring server;
editing this copy changes nothing except your own understanding.
"""

import jax, jax.numpy as jnp
import numpy as np

VOCAB = 100000
D_MODEL = 1024
BATCH = 4
SEQ = 4096


def setup_inputs(seed: int = 0) -> dict:
    key = jax.random.key(seed)
    k1, k2 = jax.random.split(key)
    encoder_input_ids = jax.random.randint(k1, (BATCH, SEQ), 0, VOCAB, dtype=jnp.int32)
    encoder_attention_mask = jnp.ones((BATCH, SEQ), dtype=jnp.int32)
    # nn.Embedding weight, re-initialized with normal_(mean=0, std=1) per init_all
    embed = jax.random.normal(k2, (VOCAB, D_MODEL), dtype=jnp.float32)
    return {
        "encoder_input_ids": encoder_input_ids,
        "encoder_attention_mask": encoder_attention_mask,
        "embed": embed,
    }


def reference(encoder_input_ids, encoder_attention_mask, embed):
    # is_decoder=False branch: encoder_hidden_states = dropout(embed(encoder_input_ids))
    # dropout is identity in eval / deterministic reference
    encoder_hidden_states = jnp.take(embed, encoder_input_ids, axis=0)
    # format_outputs with ds=False returns the tuple unchanged; the only newly
    # computed tensor is encoder_hidden_states, which we return alongside the
    # pass-through ids/mask.
    return (encoder_input_ids, encoder_attention_mask, encoder_hidden_states)

if __name__ == "__main__":
    import jax
    _d = setup_inputs()
    print(jax.jit(kernel)(*tuple(_d.values())))

</pallas_src>

<mosaic_0001>
#map = affine_map<(d0, d1) -> (0)>
#map1 = affine_map<(d0, d1) -> (0, 0)>
module attributes {stable_mosaic.version = 14 : i64} {
  func.func @_body(%arg0: i32, %arg1: i32, %arg2: memref<16384xi32, #tpu.memory_space<hbm>>, %arg3: memref<100000x1024xf32, #tpu.memory_space<hbm>>, %arg4: memref<16384x1024xf32, #tpu.memory_space<hbm>>, %arg5: memref<512xi32, #tpu.memory_space<vmem>>, %arg6: memref<32x1024xf32, #tpu.memory_space<vmem>>, %arg7: memref<32x1024xf32, #tpu.memory_space<vmem>>, %arg8: memref<32x1024xf32, #tpu.memory_space<vmem>>, %arg9: memref<!tpu.dma_semaphore, #tpu.memory_space<semaphore_mem>>, %arg10: memref<!tpu.dma_semaphore, #tpu.memory_space<semaphore_mem>>, %arg11: memref<!tpu.dma_semaphore, #tpu.memory_space<semaphore_mem>>, %arg12: memref<!tpu.dma_semaphore, #tpu.memory_space<semaphore_mem>>, %arg13: memref<!tpu.dma_semaphore, #tpu.memory_space<semaphore_mem>>, %arg14: memref<!tpu.dma_semaphore, #tpu.memory_space<semaphore_mem>>) attributes {dimension_semantics = [#tpu.dimension_semantics<core_parallel>, #tpu.dimension_semantics<subcore_parallel>], iteration_bounds = array<i64: 2, 16>, scalar_prefetch = 0 : i64, scratch_operands = 10 : i64, tpu.core_type = #tpu.core_type<sc_vector_subcore>, window_params = [{transform_indices = #map}, {transform_indices = #map1}, {transform_indices = #map1}]} {
    %mul3A = arith.constant 2 : i32
    %mul3A_0 = arith.muli %arg1, %mul3A : i32
    %add3A = arith.addi %mul3A_0, %arg0 : i32
    %mul3A_1 = arith.constant 512 : i32
    %mul3A_2 = arith.muli %add3A, %mul3A_1 : i32
    "tpu.region"() ({
      %run_scoped3A = tpu.sem_alloc : memref<!tpu.dma_semaphore, #tpu.memory_space<semaphore_mem>>
      %dma_start3A_335 = arith.constant 0 : i32
      %dma_start3A_336 = tpu.memref_slice %arg5[%dma_start3A_335] : memref<512xi32, #tpu.memory_space<vmem>> -> memref<32xi32, #tpu.memory_space<vmem>>
      %dma_start3A_337 = tpu.memref_slice %arg2[%mul3A_2] : memref<16384xi32, #tpu.memory_space<hbm>> -> memref<32xi32, #tpu.memory_space<hbm>>
      %dma_start3A_338 = arith.constant 0 : i32
      %dma_start3A_339 = tpu.memref_slice %arg5[%dma_start3A_338] : memref<512xi32, #tpu.memory_space<vmem>> -> memref<32xi32, #tpu.memory_space<vmem>>
      %dma_start3A_340 = tpu.memref_slice %arg2[%mul3A_2] : memref<16384xi32, #tpu.memory_space<hbm>> -> memref<32xi32, #tpu.memory_space<hbm>>
      tpu.enqueue_dma source(%dma_start3A_340 : memref<32xi32, #tpu.memory_space<hbm>>) target(%dma_start3A_339 : memref<32xi32, #tpu.memory_space<vmem>>) target_semaphore(%run_scoped3A : memref<!tpu.dma_semaphore, #tpu.memory_space<semaphore_mem>>)
      %dma_wait3A_341 = arith.constant 0 : i32
      %dma_wait3A_342 = tpu.memref_slice %arg5[%dma_wait3A_341] : memref<512xi32, #tpu.memory_space<vmem>> -> memref<32xi32, #tpu.memory_space<vmem>>
      %dma_wait3A_343 = tpu.memref_slice %arg2[%mul3A_2] : memref<16384xi32, #tpu.memory_space<hbm>> -> memref<32xi32, #tpu.memory_space<hbm>>
      %dma_wait3A_344 = arith.constant 0 : i32
      %dma_wait3A_345 = tpu.memref_slice %arg5[%dma_wait3A_344] : memref<512xi32, #tpu.memory_space<vmem>> -> memref<32xi32, #tpu.memory_space<vmem>>
      %dma_wait3A_346 = tpu.memref_slice %arg2[%mul3A_2] : memref<16384xi32, #tpu.memory_space<hbm>> -> memref<32xi32, #tpu.memory_space<hbm>>
      tpu.wait_dma2 semaphore(%run_scoped3A : memref<!tpu.dma_semaphore, #tpu.memory_space<semaphore_mem>>) src(%dma_wait3A_346 : memref<32xi32, #tpu.memory_space<hbm>>) dst(%dma_wait3A_345 : memref<32xi32, #tpu.memory_space<vmem>>)
      tpu.yield
    }) : () -> ()
    %add3A_3 = arith.constant 32 : i32
    %add3A_4 = arith.addi %mul3A_2, %add3A_3 : i32
    %dma_start3A = arith.constant 32 : i32
    %dma_start3A_5 = tpu.memref_slice %arg5[%dma_start3A] : memref<512xi32, #tpu.memory_space<vmem>> -> memref<480xi32, #tpu.memory_space<vmem>>
    %dma_start3A_6 = tpu.memref_slice %arg2[%add3A_4] : memref<16384xi32, #tpu.memory_space<hbm>> -> memref<480xi32, #tpu.memory_space<hbm>>
    %dma_start3A_7 = arith.constant 32 : i32
    %dma_start3A_8 = tpu.memref_slice %arg5[%dma_start3A_7] : memref<512xi32, #tpu.memory_space<vmem>> -> memref<480xi32, #tpu.memory_space<vmem>>
    %dma_start3A_9 = tpu.memref_slice %arg2[%add3A_4] : memref<16384xi32, #tpu.memory_space<hbm>> -> memref<480xi32, #tpu.memory_space<hbm>>
    tpu.enqueue_dma source(%dma_start3A_9 : memref<480xi32, #tpu.memory_space<hbm>>) target(%dma_start3A_8 : memref<480xi32, #tpu.memory_space<vmem>>) target_semaphore(%arg12 : memref<!tpu.dma_semaphore, #tpu.memory_space<semaphore_mem>>)
    %dma_start3A_10 = arith.constant 0 : i32
    %dma_start3A_11 = tpu.memref_slice %arg5[%dma_start3A_10] : memref<512xi32, #tpu.memory_space<vmem>> -> memref<32xi32, #tpu.memory_space<vmem>>
    %dma_start3A_12 = arith.constant 0 : i32
    %dma_start3A_13 = arith.constant 0 : i32
    %dma_start3A_14 = tpu.memref_slice %arg3[%dma_start3A_12, %dma_start3A_13] : memref<100000x1024xf32, #tpu.memory_space<hbm>> -> memref<100000x1024xf32, #tpu.memory_space<hbm>>
    tpu.enqueue_indirect_dma source(%dma_start3A_14 : memref<100000x1024xf32, #tpu.memory_space<hbm>>) target(%arg6 : memref<32x1024xf32, #tpu.memory_space<vmem>>) offsets(%dma_start3A_11 : memref<32xi32, #tpu.memory_space<vmem>>) semaphore(%arg9 : memref<!tpu.dma_semaphore, #tpu.memory_space<semaphore_mem>>)
    %dma_wait3A = arith.constant 32 : i32
    %dma_wait3A_15 = tpu.memref_slice %arg5[%dma_wait3A] : memref<512xi32, #tpu.memory_space<vmem>> -> memref<480xi32, #tpu.memory_space<vmem>>
    %dma_wait3A_16 = tpu.memref_slice %arg2[%add3A_4] : memref<16384xi32, #tpu.memory_space<hbm>> -> memref<480xi32, #tpu.memory_space<hbm>>
    %dma_wait3A_17 = arith.constant 32 : i32
    %dma_wait3A_18 = tpu.memref_slice %arg5[%dma_wait3A_17] : memref<512xi32, #tpu.memory_space<vmem>> -> memref<480xi32, #tpu.memory_space<vmem>>
    %dma_wait3A_19 = tpu.memref_slice %arg2[%add3A_4] : memref<16384xi32, #tpu.memory_space<hbm>> -> memref<480xi32, #tpu.memory_space<hbm>>
    tpu.wait_dma2 semaphore(%arg12 : memref<!tpu.dma_semaphore, #tpu.memory_space<semaphore_mem>>) src(%dma_wait3A_19 : memref<480xi32, #tpu.memory_space<hbm>>) dst(%dma_wait3A_18 : memref<480xi32, #tpu.memory_space<vmem>>)
    %dma_start3A_20 = arith.constant 32 : i32
    %dma_start3A_21 = tpu.memref_slice %arg5[%dma_start3A_20] : memref<512xi32, #tpu.memory_space<vmem>> -> memref<32xi32, #tpu.memory_space<vmem>>
    %dma_start3A_22 = arith.constant 0 : i32
    %dma_start3A_23 = arith.constant 0 : i32
    %dma_start3A_24 = tpu.memref_slice %arg3[%dma_start3A_22, %dma_start3A_23] : memref<100000x1024xf32, #tpu.memory_space<hbm>> -> memref<100000x1024xf32, #tpu.memory_space<hbm>>
    tpu.enqueue_indirect_dma source(%dma_start3A_24 : memref<100000x1024xf32, #tpu.memory_space<hbm>>) target(%arg7 : memref<32x1024xf32, #tpu.memory_space<vmem>>) offsets(%dma_start3A_21 : memref<32xi32, #tpu.memory_space<vmem>>) semaphore(%arg10 : memref<!tpu.dma_semaphore, #tpu.memory_space<semaphore_mem>>)
    %dma_start3A_25 = arith.constant 64 : i32
    %dma_start3A_26 = tpu.memref_slice %arg5[%dma_start3A_25] : memref<512xi32, #tpu.memory_space<vmem>> -> memref<32xi32, #tpu.memory_space<vmem>>
    %dma_start3A_27 = arith.constant 0 : i32
    %dma_start3A_28 = arith.constant 0 : i32
    %dma_start3A_29 = tpu.memref_slice %arg3[%dma_start3A_27, %dma_start3A_28] : memref<100000x1024xf32, #tpu.memory_space<hbm>> -> memref<100000x1024xf32, #tpu.memory_space<hbm>>
    tpu.enqueue_indirect_dma source(%dma_start3A_29 : memref<100000x1024xf32, #tpu.memory_space<hbm>>) target(%arg8 : memref<32x1024xf32, #tpu.memory_space<vmem>>) offsets(%dma_start3A_26 : memref<32xi32, #tpu.memory_space<vmem>>) semaphore(%arg11 : memref<!tpu.dma_semaphore, #tpu.memory_space<semaphore_mem>>)
    %dma_wait3A_30 = arith.constant 0 : i32
    %dma_wait3A_31 = tpu.memref_slice %arg5[%dma_wait3A_30] : memref<512xi32, #tpu.memory_space<vmem>> -> memref<32xi32, #tpu.memory_space<vmem>>
    %dma_wait3A_32 = arith.constant 0 : i32
    %dma_wait3A_33 = arith.constant 0 : i32
    %dma_wait3A_34 = tpu.memref_slice %arg3[%dma_wait3A_32, %dma_wait3A_33] : memref<100000x1024xf32, #tpu.memory_space<hbm>> -> memref<100000x1024xf32, #tpu.memory_space<hbm>>
    tpu.wait_indirect_dma semaphore(%arg9 : memref<!tpu.dma_semaphore, #tpu.memory_space<semaphore_mem>>) src(%dma_wait3A_34 : memref<100000x1024xf32, #tpu.memory_space<hbm>>) dst(%arg6 : memref<32x1024xf32, #tpu.memory_space<vmem>>)
    %add3A_35 = arith.constant 0 : i32
    %add3A_36 = arith.addi %mul3A_2, %add3A_35 : i32
    %dma_start3A_37 = arith.constant 0 : i32
    %dma_start3A_38 = tpu.memref_slice %arg4[%add3A_36, %dma_start3A_37] : memref<16384x1024xf32, #tpu.memory_space<hbm>> -> memref<32x1024xf32, #tpu.memory_space<hbm>>
    %dma_start3A_39 = arith.constant 0 : i32
    %dma_start3A_40 = tpu.memref_slice %arg4[%add3A_36, %dma_start3A_39] : memref<16384x1024xf32, #tpu.memory_space<hbm>> -> memref<32x1024xf32, #tpu.memory_space<hbm>>
    tpu.enqueue_dma source(%arg6 : memref<32x1024xf32, #tpu.memory_space<vmem>>) target(%dma_start3A_40 : memref<32x1024xf32, #tpu.memory_space<hbm>>) target_semaphore(%arg12 : memref<!tpu.dma_semaphore, #tpu.memory_space<semaphore_mem>>)
    %dma_wait3A_41 = arith.constant 0 : i32
    %dma_wait3A_42 = tpu.memref_slice %arg4[%add3A_36, %dma_wait3A_41] : memref<16384x1024xf32, #tpu.memory_space<hbm>> -> memref<32x1024xf32, #tpu.memory_space<hbm>>
    %dma_wait3A_43 = arith.constant 0 : i32
    %dma_wait3A_44 = tpu.memref_slice %arg4[%add3A_36, %dma_wait3A_43] : memref<16384x1024xf32, #tpu.memory_space<hbm>> -> memref<32x1024xf32, #tpu.memory_space<hbm>>
    tpu.wait_dma2 semaphore(%arg12 : memref<!tpu.dma_semaphore, #tpu.memory_space<semaphore_mem>>) src(%arg6 : memref<32x1024xf32, #tpu.memory_space<vmem>>) dst(%dma_wait3A_44 : memref<32x1024xf32, #tpu.memory_space<hbm>>)
    %dma_start3A_45 = arith.constant 96 : i32
    %dma_start3A_46 = tpu.memref_slice %arg5[%dma_start3A_45] : memref<512xi32, #tpu.memory_space<vmem>> -> memref<32xi32, #tpu.memory_space<vmem>>
    %dma_start3A_47 = arith.constant 0 : i32
    %dma_start3A_48 = arith.constant 0 : i32
    %dma_start3A_49 = tpu.memref_slice %arg3[%dma_start3A_47, %dma_start3A_48] : memref<100000x1024xf32, #tpu.memory_space<hbm>> -> memref<100000x1024xf32, #tpu.memory_space<hbm>>
    tpu.enqueue_indirect_dma source(%dma_start3A_49 : memref<100000x1024xf32, #tpu.memory_space<hbm>>) target(%arg6 : memref<32x1024xf32, #tpu.memory_space<vmem>>) offsets(%dma_start3A_46 : memref<32xi32, #tpu.memory_space<vmem>>) semaphore(%arg9 : memref<!tpu.dma_semaphore, #tpu.memory_space<semaphore_mem>>)
    %dma_wait3A_50 = arith.constant 32 : i32
    %dma_wait3A_51 = tpu.memref_slice %arg5[%dma_wait3A_50] : memref<512xi32, #tpu.memory_space<vmem>> -> memref<32xi32, #tpu.memory_space<vmem>>
    %dma_wait3A_52 = arith.constant 0 : i32
    %dma_wait3A_53 = arith.constant 0 : i32
    %dma_wait3A_54 = tpu.memref_slice %arg3[%dma_wait3A_52, %dma_wait3A_53] : memref<100000x1024xf32, #tpu.memory_space<hbm>> -> memref<100000x1024xf32, #tpu.memory_space<hbm>>
    tpu.wait_indirect_dma semaphore(%arg10 : memref<!tpu.dma_semaphore, #tpu.memory_space<semaphore_mem>>) src(%dma_wait3A_54 : memref<100000x1024xf32, #tpu.memory_space<hbm>>) dst(%arg7 : memref<32x1024xf32, #tpu.memory_space<vmem>>)
    %add3A_55 = arith.constant 32 : i32
    %add3A_56 = arith.addi %mul3A_2, %add3A_55 : i32
    %dma_start3A_57 = arith.constant 0 : i32
    %dma_start3A_58 = tpu.memref_slice %arg4[%add3A_56, %dma_start3A_57] : memref<16384x1024xf32, #tpu.memory_space<hbm>> -> memref<32x1024xf32, #tpu.memory_space<hbm>>
    %dma_start3A_59 = arith.constant 0 : i32
    %dma_start3A_60 = tpu.memref_slice %arg4[%add3A_56, %dma_start3A_59] : memref<16384x1024xf32, #tpu.memory_space<hbm>> -> memref<32x1024xf32, #tpu.memory_space<hbm>>
    tpu.enqueue_dma source(%arg7 : memref<32x1024xf32, #tpu.memory_space<vmem>>) target(%dma_start3A_60 : memref<32x1024xf32, #tpu.memory_space<hbm>>) target_semaphore(%arg13 : memref<!tpu.dma_semaphore, #tpu.memory_space<semaphore_mem>>)
    %dma_wait3A_61 = arith.constant 0 : i32
    %dma_wait3A_62 = tpu.memref_slice %arg4[%add3A_56, %dma_wait3A_61] : memref<16384x1024xf32, #tpu.memory_space<hbm>> -> memref<32x1024xf32, #tpu.memory_space<hbm>>
    %dma_wait3A_63 = arith.constant 0 : i32
    %dma_wait3A_64 = tpu.memref_slice %arg4[%add3A_56, %dma_wait3A_63] : memref<16384x1024xf32, #tpu.memory_space<hbm>> -> memref<32x1024xf32, #tpu.memory_space<hbm>>
    tpu.wait_dma2 semaphore(%arg13 : memref<!tpu.dma_semaphore, #tpu.memory_space<semaphore_mem>>) src(%arg7 : memref<32x1024xf32, #tpu.memory_space<vmem>>) dst(%dma_wait3A_64 : memref<32x1024xf32, #tpu.memory_space<hbm>>)
    %dma_start3A_65 = arith.constant 128 : i32
    %dma_start3A_66 = tpu.memref_slice %arg5[%dma_start3A_65] : memref<512xi32, #tpu.memory_space<vmem>> -> memref<32xi32, #tpu.memory_space<vmem>>
    %dma_start3A_67 = arith.constant 0 : i32
    %dma_start3A_68 = arith.constant 0 : i32
    %dma_start3A_69 = tpu.memref_slice %arg3[%dma_start3A_67, %dma_start3A_68] : memref<100000x1024xf32, #tpu.memory_space<hbm>> -> memref<100000x1024xf32, #tpu.memory_space<hbm>>
    tpu.enqueue_indirect_dma source(%dma_start3A_69 : memref<100000x1024xf32, #tpu.memory_space<hbm>>) target(%arg7 : memref<32x1024xf32, #tpu.memory_space<vmem>>) offsets(%dma_start3A_66 : memref<32xi32, #tpu.memory_space<vmem>>) semaphore(%arg10 : memref<!tpu.dma_semaphore, #tpu.memory_space<semaphore_mem>>)
    %dma_wait3A_70 = arith.constant 64 : i32
    %dma_wait3A_71 = tpu.memref_slice %arg5[%dma_wait3A_70] : memref<512xi32, #tpu.memory_space<vmem>> -> memref<32xi32, #tpu.memory_space<vmem>>
    %dma_wait3A_72 = arith.constant 0 : i32
    %dma_wait3A_73 = arith.constant 0 : i32
    %dma_wait3A_74 = tpu.memref_slice %arg3[%dma_wait3A_72, %dma_wait3A_73] : memref<100000x1024xf32, #tpu.memory_space<hbm>> -> memref<100000x1024xf32, #tpu.memory_space<hbm>>
    tpu.wait_indirect_dma semaphore(%arg11 : memref<!tpu.dma_semaphore, #tpu.memory_space<semaphore_mem>>) src(%dma_wait3A_74 : memref<100000x1024xf32, #tpu.memory_space<hbm>>) dst(%arg8 : memref<32x1024xf32, #tpu.memory_space<vmem>>)
    %add3A_75 = arith.constant 64 : i32
    %add3A_76 = arith.addi %mul3A_2, %add3A_75 : i32
    %dma_start3A_77 = arith.constant 0 : i32
    %dma_start3A_78 = tpu.memref_slice %arg4[%add3A_76, %dma_start3A_77] : memref<16384x1024xf32, #tpu.memory_space<hbm>> -> memref<32x1024xf32, #tpu.memory_space<hbm>>
    %dma_start3A_79 = arith.constant 0 : i32
    %dma_start3A_80 = tpu.memref_slice %arg4[%add3A_76, %dma_start3A_79] : memref<16384x1024xf32, #tpu.memory_space<hbm>> -> memref<32x1024xf32, #tpu.memory_space<hbm>>
    tpu.enqueue_dma source(%arg8 : memref<32x1024xf32, #tpu.memory_space<vmem>>) target(%dma_start3A_80 : memref<32x1024xf32, #tpu.memory_space<hbm>>) target_semaphore(%arg14 : memref<!tpu.dma_semaphore, #tpu.memory_space<semaphore_mem>>)
    %dma_wait3A_81 = arith.constant 0 : i32
    %dma_wait3A_82 = tpu.memref_slice %arg4[%add3A_76, %dma_wait3A_81] : memref<16384x1024xf32, #tpu.memory_space<hbm>> -> memref<32x1024xf32, #tpu.memory_space<hbm>>
    %dma_wait3A_83 = arith.constant 0 : i32
    %dma_wait3A_84 = tpu.memref_slice %arg4[%add3A_76, %dma_wait3A_83] : memref<16384x1024xf32, #tpu.memory_space<hbm>> -> memref<32x1024xf32, #tpu.memory_space<hbm>>
    tpu.wait_dma2 semaphore(%arg14 : memref<!tpu.dma_semaphore, #tpu.memory_space<semaphore_mem>>) src(%arg8 : memref<32x1024xf32, #tpu.memory_space<vmem>>) dst(%dma_wait3A_84 : memref<32x1024xf32, #tpu.memory_space<hbm>>)
    %dma_start3A_85 = arith.constant 160 : i32
    %dma_start3A_86 = tpu.memref_slice %arg5[%dma_start3A_85] : memref<512xi32, #tpu.memory_space<vmem>> -> memref<32xi32, #tpu.memory_space<vmem>>
    %dma_start3A_87 = arith.constant 0 : i32
    %dma_start3A_88 = arith.constant 0 : i32
    %dma_start3A_89 = tpu.memref_slice %arg3[%dma_start3A_87, %dma_start3A_88] : memref<100000x1024xf32, #tpu.memory_space<hbm>> -> memref<100000x1024xf32, #tpu.memory_space<hbm>>
    tpu.enqueue_indirect_dma source(%dma_start3A_89 : memref<100000x1024xf32, #tpu.memory_space<hbm>>) target(%arg8 : memref<32x1024xf32, #tpu.memory_space<vmem>>) offsets(%dma_start3A_86 : memref<32xi32, #tpu.memory_space<vmem>>) semaphore(%arg11 : memref<!tpu.dma_semaphore, #tpu.memory_space<semaphore_mem>>)
    %dma_wait3A_90 = arith.constant 96 : i32
    %dma_wait3A_91 = tpu.memref_slice %arg5[%dma_wait3A_90] : memref<512xi32, #tpu.memory_space<vmem>> -> memref<32xi32, #tpu.memory_space<vmem>>
    %dma_wait3A_92 = arith.constant 0 : i32
    %dma_wait3A_93 = arith.constant 0 : i32
    %dma_wait3A_94 = tpu.memref_slice %arg3[%dma_wait3A_92, %dma_wait3A_93] : memref<100000x1024xf32, #tpu.memory_space<hbm>> -> memref<100000x1024xf32, #tpu.memory_space<hbm>>
    tpu.wait_indirect_dma semaphore(%arg9 : memref<!tpu.dma_semaphore, #tpu.memory_space<semaphore_mem>>) src(%dma_wait3A_94 : memref<100000x1024xf32, #tpu.memory_space<hbm>>) dst(%arg6 : memref<32x1024xf32, #tpu.memory_space<vmem>>)
    %add3A_95 = arith.constant 96 : i32
    %add3A_96 = arith.addi %mul3A_2, %add3A_95 : i32
    %dma_start3A_97 = arith.constant 0 : i32
    %dma_start3A_98 = tpu.memref_slice %arg4[%add3A_96, %dma_start3A_97] : memref<16384x1024xf32, #tpu.memory_space<hbm>> -> memref<32x1024xf32, #tpu.memory_space<hbm>>
    %dma_start3A_99 = arith.constant 0 : i32
    %dma_start3A_100 = tpu.memref_slice %arg4[%add3A_96, %dma_start3A_99] : memref<16384x1024xf32, #tpu.memory_space<hbm>> -> memref<32x1024xf32, #tpu.memory_space<hbm>>
    tpu.enqueue_dma source(%arg6 : memref<32x1024xf32, #tpu.memory_space<vmem>>) target(%dma_start3A_100 : memref<32x1024xf32, #tpu.memory_space<hbm>>) target_semaphore(%arg12 : memref<!tpu.dma_semaphore, #tpu.memory_space<semaphore_mem>>)
    %dma_wait3A_101 = arith.constant 0 : i32
    %dma_wait3A_102 = tpu.memref_slice %arg4[%add3A_96, %dma_wait3A_101] : memref<16384x1024xf32, #tpu.memory_space<hbm>> -> memref<32x1024xf32, #tpu.memory_space<hbm>>
    %dma_wait3A_103 = arith.constant 0 : i32
    %dma_wait3A_104 = tpu.memref_slice %arg4[%add3A_96, %dma_wait3A_103] : memref<16384x1024xf32, #tpu.memory_space<hbm>> -> memref<32x1024xf32, #tpu.memory_space<hbm>>
    tpu.wait_dma2 semaphore(%arg12 : memref<!tpu.dma_semaphore, #tpu.memory_space<semaphore_mem>>) src(%arg6 : memref<32x1024xf32, #tpu.memory_space<vmem>>) dst(%dma_wait3A_104 : memref<32x1024xf32, #tpu.memory_space<hbm>>)
    %dma_start3A_105 = arith.constant 192 : i32
    %dma_start3A_106 = tpu.memref_slice %arg5[%dma_start3A_105] : memref<512xi32, #tpu.memory_space<vmem>> -> memref<32xi32, #tpu.memory_space<vmem>>
    %dma_start3A_107 = arith.constant 0 : i32
    %dma_start3A_108 = arith.constant 0 : i32
    %dma_start3A_109 = tpu.memref_slice %arg3[%dma_start3A_107, %dma_start3A_108] : memref<100000x1024xf32, #tpu.memory_space<hbm>> -> memref<100000x1024xf32, #tpu.memory_space<hbm>>
    tpu.enqueue_indirect_dma source(%dma_start3A_109 : memref<100000x1024xf32, #tpu.memory_space<hbm>>) target(%arg6 : memref<32x1024xf32, #tpu.memory_space<vmem>>) offsets(%dma_start3A_106 : memref<32xi32, #tpu.memory_space<vmem>>) semaphore(%arg9 : memref<!tpu.dma_semaphore, #tpu.memory_space<semaphore_mem>>)
    %dma_wait3A_110 = arith.constant 128 : i32
    %dma_wait3A_111 = tpu.memref_slice %arg5[%dma_wait3A_110] : memref<512xi32, #tpu.memory_space<vmem>> -> memref<32xi32, #tpu.memory_space<vmem>>
    %dma_wait3A_112 = arith.constant 0 : i32
    %dma_wait3A_113 = arith.constant 0 : i32
    %dma_wait3A_114 = tpu.memref_slice %arg3[%dma_wait3A_112, %dma_wait3A_113] : memref<100000x1024xf32, #tpu.memory_space<hbm>> -> memref<100000x1024xf32, #tpu.memory_space<hbm>>
    tpu.wait_indirect_dma semaphore(%arg10 : memref<!tpu.dma_semaphore, #tpu.memory_space<semaphore_mem>>) src(%dma_wait3A_114 : memref<100000x1024xf32, #tpu.memory_space<hbm>>) dst(%arg7 : memref<32x1024xf32, #tpu.memory_space<vmem>>)
    %add3A_115 = arith.constant 128 : i32
    %add3A_116 = arith.addi %mul3A_2, %add3A_115 : i32
    %dma_start3A_117 = arith.constant 0 : i32
    %dma_start3A_118 = tpu.memref_slice %arg4[%add3A_116, %dma_start3A_117] : memref<16384x1024xf32, #tpu.memory_space<hbm>> -> memref<32x1024xf32, #tpu.memory_space<hbm>>
    %dma_start3A_119 = arith.constant 0 : i32
    %dma_start3A_120 = tpu.memref_slice %arg4[%add3A_116, %dma_start3A_119] : memref<16384x1024xf32, #tpu.memory_space<hbm>> -> memref<32x1024xf32, #tpu.memory_space<hbm>>
    tpu.enqueue_dma source(%arg7 : memref<32x1024xf32, #tpu.memory_space<vmem>>) target(%dma_start3A_120 : memref<32x1024xf32, #tpu.memory_space<hbm>>) target_semaphore(%arg13 : memref<!tpu.dma_semaphore, #tpu.memory_space<semaphore_mem>>)
    %dma_wait3A_121 = arith.constant 0 : i32
    %dma_wait3A_122 = tpu.memref_slice %arg4[%add3A_116, %dma_wait3A_121] : memref<16384x1024xf32, #tpu.memory_space<hbm>> -> memref<32x1024xf32, #tpu.memory_space<hbm>>
    %dma_wait3A_123 = arith.constant 0 : i32
    %dma_wait3A_124 = tpu.memref_slice %arg4[%add3A_116, %dma_wait3A_123] : memref<16384x1024xf32, #tpu.memory_space<hbm>> -> memref<32x1024xf32, #tpu.memory_space<hbm>>
    tpu.wait_dma2 semaphore(%arg13 : memref<!tpu.dma_semaphore, #tpu.memory_space<semaphore_mem>>) src(%arg7 : memref<32x1024xf32, #tpu.memory_space<vmem>>) dst(%dma_wait3A_124 : memref<32x1024xf32, #tpu.memory_space<hbm>>)
    %dma_start3A_125 = arith.constant 224 : i32
    %dma_start3A_126 = tpu.memref_slice %arg5[%dma_start3A_125] : memref<512xi32, #tpu.memory_space<vmem>> -> memref<32xi32, #tpu.memory_space<vmem>>
    %dma_start3A_127 = arith.constant 0 : i32
    %dma_start3A_128 = arith.constant 0 : i32
    %dma_start3A_129 = tpu.memref_slice %arg3[%dma_start3A_127, %dma_start3A_128] : memref<100000x1024xf32, #tpu.memory_space<hbm>> -> memref<100000x1024xf32, #tpu.memory_space<hbm>>
    tpu.enqueue_indirect_dma source(%dma_start3A_129 : memref<100000x1024xf32, #tpu.memory_space<hbm>>) target(%arg7 : memref<32x1024xf32, #tpu.memory_space<vmem>>) offsets(%dma_start3A_126 : memref<32xi32, #tpu.memory_space<vmem>>) semaphore(%arg10 : memref<!tpu.dma_semaphore, #tpu.memory_space<semaphore_mem>>)
    %dma_wait3A_130 = arith.constant 160 : i32
    %dma_wait3A_131 = tpu.memref_slice %arg5[%dma_wait3A_130] : memref<512xi32, #tpu.memory_space<vmem>> -> memref<32xi32, #tpu.memory_space<vmem>>
    %dma_wait3A_132 = arith.constant 0 : i32
    %dma_wait3A_133 = arith.constant 0 : i32
    %dma_wait3A_134 = tpu.memref_slice %arg3[%dma_wait3A_132, %dma_wait3A_133] : memref<100000x1024xf32, #tpu.memory_space<hbm>> -> memref<100000x1024xf32, #tpu.memory_space<hbm>>
    tpu.wait_indirect_dma semaphore(%arg11 : memref<!tpu.dma_semaphore, #tpu.memory_space<semaphore_mem>>) src(%dma_wait3A_134 : memref<100000x1024xf32, #tpu.memory_space<hbm>>) dst(%arg8 : memref<32x1024xf32, #tpu.memory_space<vmem>>)
    %add3A_135 = arith.constant 160 : i32
    %add3A_136 = arith.addi %mul3A_2, %add3A_135 : i32
    %dma_start3A_137 = arith.constant 0 : i32
    %dma_start3A_138 = tpu.memref_slice %arg4[%add3A_136, %dma_start3A_137] : memref<16384x1024xf32, #tpu.memory_space<hbm>> -> memref<32x1024xf32, #tpu.memory_space<hbm>>
    %dma_start3A_139 = arith.constant 0 : i32
    %dma_start3A_140 = tpu.memref_slice %arg4[%add3A_136, %dma_start3A_139] : memref<16384x1024xf32, #tpu.memory_space<hbm>> -> memref<32x1024xf32, #tpu.memory_space<hbm>>
    tpu.enqueue_dma source(%arg8 : memref<32x1024xf32, #tpu.memory_space<vmem>>) target(%dma_start3A_140 : memref<32x1024xf32, #tpu.memory_space<hbm>>) target_semaphore(%arg14 : memref<!tpu.dma_semaphore, #tpu.memory_space<semaphore_mem>>)
    %dma_wait3A_141 = arith.constant 0 : i32
    %dma_wait3A_142 = tpu.memref_slice %arg4[%add3A_136, %dma_wait3A_141] : memref<16384x1024xf32, #tpu.memory_space<hbm>> -> memref<32x1024xf32, #tpu.memory_space<hbm>>
    %dma_wait3A_143 = arith.constant 0 : i32
    %dma_wait3A_144 = tpu.memref_slice %arg4[%add3A_136, %dma_wait3A_143] : memref<16384x1024xf32, #tpu.memory_space<hbm>> -> memref<32x1024xf32, #tpu.memory_space<hbm>>
    tpu.wait_dma2 semaphore(%arg14 : memref<!tpu.dma_semaphore, #tpu.memory_space<semaphore_mem>>) src(%arg8 : memref<32x1024xf32, #tpu.memory_space<vmem>>) dst(%dma_wait3A_144 : memref<32x1024xf32, #tpu.memory_space<hbm>>)
    %dma_start3A_145 = arith.constant 256 : i32
    %dma_start3A_146 = tpu.memref_slice %arg5[%dma_start3A_145] : memref<512xi32, #tpu.memory_space<vmem>> -> memref<32xi32, #tpu.memory_space<vmem>>
    %dma_start3A_147 = arith.constant 0 : i32
    %dma_start3A_148 = arith.constant 0 : i32
    %dma_start3A_149 = tpu.memref_slice %arg3[%dma_start3A_147, %dma_start3A_148] : memref<100000x1024xf32, #tpu.memory_space<hbm>> -> memref<100000x1024xf32, #tpu.memory_space<hbm>>
    tpu.enqueue_indirect_dma source(%dma_start3A_149 : memref<100000x1024xf32, #tpu.memory_space<hbm>>) target(%arg8 : memref<32x1024xf32, #tpu.memory_space<vmem>>) offsets(%dma_start3A_146 : memref<32xi32, #tpu.memory_space<vmem>>) semaphore(%arg11 : memref<!tpu.dma_semaphore, #tpu.memory_space<semaphore_mem>>)
    %dma_wait3A_150 = arith.constant 192 : i32
    %dma_wait3A_151 = tpu.memref_slice %arg5[%dma_wait3A_150] : memref<512xi32, #tpu.memory_space<vmem>> -> memref<32xi32, #tpu.memory_space<vmem>>
    %dma_wait3A_152 = arith.constant 0 : i32
    %dma_wait3A_153 = arith.constant 0 : i32
    %dma_wait3A_154 = tpu.memref_slice %arg3[%dma_wait3A_152, %dma_wait3A_153] : memref<100000x1024xf32, #tpu.memory_space<hbm>> -> memref<100000x1024xf32, #tpu.memory_space<hbm>>
    tpu.wait_indirect_dma semaphore(%arg9 : memref<!tpu.dma_semaphore, #tpu.memory_space<semaphore_mem>>) src(%dma_wait3A_154 : memref<100000x1024xf32, #tpu.memory_space<hbm>>) dst(%arg6 : memref<32x1024xf32, #tpu.memory_space<vmem>>)
    %add3A_155 = arith.constant 192 : i32
    %add3A_156 = arith.addi %mul3A_2, %add3A_155 : i32
    %dma_start3A_157 = arith.constant 0 : i32
    %dma_start3A_158 = tpu.memref_slice %arg4[%add3A_156, %dma_start3A_157] : memref<16384x1024xf32, #tpu.memory_space<hbm>> -> memref<32x1024xf32, #tpu.memory_space<hbm>>
    %dma_start3A_159 = arith.constant 0 : i32
    %dma_start3A_160 = tpu.memref_slice %arg4[%add3A_156, %dma_start3A_159] : memref<16384x1024xf32, #tpu.memory_space<hbm>> -> memref<32x1024xf32, #tpu.memory_space<hbm>>
    tpu.enqueue_dma source(%arg6 : memref<32x1024xf32, #tpu.memory_space<vmem>>) target(%dma_start3A_160 : memref<32x1024xf32, #tpu.memory_space<hbm>>) target_semaphore(%arg12 : memref<!tpu.dma_semaphore, #tpu.memory_space<semaphore_mem>>)
    %dma_wait3A_161 = arith.constant 0 : i32
    %dma_wait3A_162 = tpu.memref_slice %arg4[%add3A_156, %dma_wait3A_161] : memref<16384x1024xf32, #tpu.memory_space<hbm>> -> memref<32x1024xf32, #tpu.memory_space<hbm>>
    %dma_wait3A_163 = arith.constant 0 : i32
    %dma_wait3A_164 = tpu.memref_slice %arg4[%add3A_156, %dma_wait3A_163] : memref<16384x1024xf32, #tpu.memory_space<hbm>> -> memref<32x1024xf32, #tpu.memory_space<hbm>>
    tpu.wait_dma2 semaphore(%arg12 : memref<!tpu.dma_semaphore, #tpu.memory_space<semaphore_mem>>) src(%arg6 : memref<32x1024xf32, #tpu.memory_space<vmem>>) dst(%dma_wait3A_164 : memref<32x1024xf32, #tpu.memory_space<hbm>>)
    %dma_start3A_165 = arith.constant 288 : i32
    %dma_start3A_166 = tpu.memref_slice %arg5[%dma_start3A_165] : memref<512xi32, #tpu.memory_space<vmem>> -> memref<32xi32, #tpu.memory_space<vmem>>
    %dma_start3A_167 = arith.constant 0 : i32
    %dma_start3A_168 = arith.constant 0 : i32
    %dma_start3A_169 = tpu.memref_slice %arg3[%dma_start3A_167, %dma_start3A_168] : memref<100000x1024xf32, #tpu.memory_space<hbm>> -> memref<100000x1024xf32, #tpu.memory_space<hbm>>
    tpu.enqueue_indirect_dma source(%dma_start3A_169 : memref<100000x1024xf32, #tpu.memory_space<hbm>>) target(%arg6 : memref<32x1024xf32, #tpu.memory_space<vmem>>) offsets(%dma_start3A_166 : memref<32xi32, #tpu.memory_space<vmem>>) semaphore(%arg9 : memref<!tpu.dma_semaphore, #tpu.memory_space<semaphore_mem>>)
    %dma_wait3A_170 = arith.constant 224 : i32
    %dma_wait3A_171 = tpu.memref_slice %arg5[%dma_wait3A_170] : memref<512xi32, #tpu.memory_space<vmem>> -> memref<32xi32, #tpu.memory_space<vmem>>
    %dma_wait3A_172 = arith.constant 0 : i32
    %dma_wait3A_173 = arith.constant 0 : i32
    %dma_wait3A_174 = tpu.memref_slice %arg3[%dma_wait3A_172, %dma_wait3A_173] : memref<100000x1024xf32, #tpu.memory_space<hbm>> -> memref<100000x1024xf32, #tpu.memory_space<hbm>>
    tpu.wait_indirect_dma semaphore(%arg10 : memref<!tpu.dma_semaphore, #tpu.memory_space<semaphore_mem>>) src(%dma_wait3A_174 : memref<100000x1024xf32, #tpu.memory_space<hbm>>) dst(%arg7 : memref<32x1024xf32, #tpu.memory_space<vmem>>)
    %add3A_175 = arith.constant 224 : i32
    %add3A_176 = arith.addi %mul3A_2, %add3A_175 : i32
    %dma_start3A_177 = arith.constant 0 : i32
    %dma_start3A_178 = tpu.memref_slice %arg4[%add3A_176, %dma_start3A_177] : memref<16384x1024xf32, #tpu.memory_space<hbm>> -> memref<32x1024xf32, #tpu.memory_space<hbm>>
    %dma_start3A_179 = arith.constant 0 : i32
    %dma_start3A_180 = tpu.memref_slice %arg4[%add3A_176, %dma_start3A_179] : memref<16384x1024xf32, #tpu.memory_space<hbm>> -> memref<32x1024xf32, #tpu.memory_space<hbm>>
    tpu.enqueue_dma source(%arg7 : memref<32x1024xf32, #tpu.memory_space<vmem>>) target(%dma_start3A_180 : memref<32x1024xf32, #tpu.memory_space<hbm>>) target_semaphore(%arg13 : memref<!tpu.dma_semaphore, #tpu.memory_space<semaphore_mem>>)
    %dma_wait3A_181 = arith.constant 0 : i32
    %dma_wait3A_182 = tpu.memref_slice %arg4[%add3A_176, %dma_wait3A_181] : memref<16384x1024xf32, #tpu.memory_space<hbm>> -> memref<32x1024xf32, #tpu.memory_space<hbm>>
    %dma_wait3A_183 = arith.constant 0 : i32
    %dma_wait3A_184 = tpu.memref_slice %arg4[%add3A_176, %dma_wait3A_183] : memref<16384x1024xf32, #tpu.memory_space<hbm>> -> memref<32x1024xf32, #tpu.memory_space<hbm>>
    tpu.wait_dma2 semaphore(%arg13 : memref<!tpu.dma_semaphore, #tpu.memory_space<semaphore_mem>>) src(%arg7 : memref<32x1024xf32, #tpu.memory_space<vmem>>) dst(%dma_wait3A_184 : memref<32x1024xf32, #tpu.memory_space<hbm>>)
    %dma_start3A_185 = arith.constant 320 : i32
    %dma_start3A_186 = tpu.memref_slice %arg5[%dma_start3A_185] : memref<512xi32, #tpu.memory_space<vmem>> -> memref<32xi32, #tpu.memory_space<vmem>>
    %dma_start3A_187 = arith.constant 0 : i32
    %dma_start3A_188 = arith.constant 0 : i32
    %dma_start3A_189 = tpu.memref_slice %arg3[%dma_start3A_187, %dma_start3A_188] : memref<100000x1024xf32, #tpu.memory_space<hbm>> -> memref<100000x1024xf32, #tpu.memory_space<hbm>>
    tpu.enqueue_indirect_dma source(%dma_start3A_189 : memref<100000x1024xf32, #tpu.memory_space<hbm>>) target(%arg7 : memref<32x1024xf32, #tpu.memory_space<vmem>>) offsets(%dma_start3A_186 : memref<32xi32, #tpu.memory_space<vmem>>) semaphore(%arg10 : memref<!tpu.dma_semaphore, #tpu.memory_space<semaphore_mem>>)
    %dma_wait3A_190 = arith.constant 256 : i32
    %dma_wait3A_191 = tpu.memref_slice %arg5[%dma_wait3A_190] : memref<512xi32, #tpu.memory_space<vmem>> -> memref<32xi32, #tpu.memory_space<vmem>>
    %dma_wait3A_192 = arith.constant 0 : i32
    %dma_wait3A_193 = arith.constant 0 : i32
    %dma_wait3A_194 = tpu.memref_slice %arg3[%dma_wait3A_192, %dma_wait3A_193] : memref<100000x1024xf32, #tpu.memory_space<hbm>> -> memref<100000x1024xf32, #tpu.memory_space<hbm>>
    tpu.wait_indirect_dma semaphore(%arg11 : memref<!tpu.dma_semaphore, #tpu.memory_space<semaphore_mem>>) src(%dma_wait3A_194 : memref<100000x1024xf32, #tpu.memory_space<hbm>>) dst(%arg8 : memref<32x1024xf32, #tpu.memory_space<vmem>>)
    %add3A_195 = arith.constant 256 : i32
    %add3A_196 = arith.addi %mul3A_2, %add3A_195 : i32
    %dma_start3A_197 = arith.constant 0 : i32
    %dma_start3A_198 = tpu.memref_slice %arg4[%add3A_196, %dma_start3A_197] : memref<16384x1024xf32, #tpu.memory_space<hbm>> -> memref<32x1024xf32, #tpu.memory_space<hbm>>
    %dma_start3A_199 = arith.constant 0 : i32
    %dma_start3A_200 = tpu.memref_slice %arg4[%add3A_196, %dma_start3A_199] : memref<16384x1024xf32, #tpu.memory_space<hbm>> -> memref<32x1024xf32, #tpu.memory_space<hbm>>
    tpu.enqueue_dma source(%arg8 : memref<32x1024xf32, #tpu.memory_space<vmem>>) target(%dma_start3A_200 : memref<32x1024xf32, #tpu.memory_space<hbm>>) target_semaphore(%arg14 : memref<!tpu.dma_semaphore, #tpu.memory_space<semaphore_mem>>)
    %dma_wait3A_201 = arith.constant 0 : i32
    %dma_wait3A_202 = tpu.memref_slice %arg4[%add3A_196, %dma_wait3A_201] : memref<16384x1024xf32, #tpu.memory_space<hbm>> -> memref<32x1024xf32, #tpu.memory_space<hbm>>
    %dma_wait3A_203 = arith.constant 0 : i32
    %dma_wait3A_204 = tpu.memref_slice %arg4[%add3A_196, %dma_wait3A_203] : memref<16384x1024xf32, #tpu.memory_space<hbm>> -> memref<32x1024xf32, #tpu.memory_space<hbm>>
    tpu.wait_dma2 semaphore(%arg14 : memref<!tpu.dma_semaphore, #tpu.memory_space<semaphore_mem>>) src(%arg8 : memref<32x1024xf32, #tpu.memory_space<vmem>>) dst(%dma_wait3A_204 : memref<32x1024xf32, #tpu.memory_space<hbm>>)
    %dma_start3A_205 = arith.constant 352 : i32
    %dma_start3A_206 = tpu.memref_slice %arg5[%dma_start3A_205] : memref<512xi32, #tpu.memory_space<vmem>> -> memref<32xi32, #tpu.memory_space<vmem>>
    %dma_start3A_207 = arith.constant 0 : i32
    %dma_start3A_208 = arith.constant 0 : i32
    %dma_start3A_209 = tpu.memref_slice %arg3[%dma_start3A_207, %dma_start3A_208] : memref<100000x1024xf32, #tpu.memory_space<hbm>> -> memref<100000x1024xf32, #tpu.memory_space<hbm>>
    tpu.enqueue_indirect_dma source(%dma_start3A_209 : memref<100000x1024xf32, #tpu.memory_space<hbm>>) target(%arg8 : memref<32x1024xf32, #tpu.memory_space<vmem>>) offsets(%dma_start3A_206 : memref<32xi32, #tpu.memory_space<vmem>>) semaphore(%arg11 : memref<!tpu.dma_semaphore, #tpu.memory_space<semaphore_mem>>)
    %dma_wait3A_210 = arith.constant 288 : i32
    %dma_wait3A_211 = tpu.memref_slice %arg5[%dma_wait3A_210] : memref<512xi32, #tpu.memory_space<vmem>> -> memref<32xi32, #tpu.memory_space<vmem>>
    %dma_wait3A_212 = arith.constant 0 : i32
    %dma_wait3A_213 = arith.constant 0 : i32
    %dma_wait3A_214 = tpu.memref_slice %arg3[%dma_wait3A_212, %dma_wait3A_213] : memref<100000x1024xf32, #tpu.memory_space<hbm>> -> memref<100000x1024xf32, #tpu.memory_space<hbm>>
    tpu.wait_indirect_dma semaphore(%arg9 : memref<!tpu.dma_semaphore, #tpu.memory_space<semaphore_mem>>) src(%dma_wait3A_214 : memref<100000x1024xf32, #tpu.memory_space<hbm>>) dst(%arg6 : memref<32x1024xf32, #tpu.memory_space<vmem>>)
    %add3A_215 = arith.constant 288 : i32
    %add3A_216 = arith.addi %mul3A_2, %add3A_215 : i32
    %dma_start3A_217 = arith.constant 0 : i32
    %dma_start3A_218 = tpu.memref_slice %arg4[%add3A_216, %dma_start3A_217] : memref<16384x1024xf32, #tpu.memory_space<hbm>> -> memref<32x1024xf32, #tpu.memory_space<hbm>>
    %dma_start3A_219 = arith.constant 0 : i32
    %dma_start3A_220 = tpu.memref_slice %arg4[%add3A_216, %dma_start3A_219] : memref<16384x1024xf32, #tpu.memory_space<hbm>> -> memref<32x1024xf32, #tpu.memory_space<hbm>>
    tpu.enqueue_dma source(%arg6 : memref<32x1024xf32, #tpu.memory_space<vmem>>) target(%dma_start3A_220 : memref<32x1024xf32, #tpu.memory_space<hbm>>) target_semaphore(%arg12 : memref<!tpu.dma_semaphore, #tpu.memory_space<semaphore_mem>>)
    %dma_wait3A_221 = arith.constant 0 : i32
    %dma_wait3A_222 = tpu.memref_slice %arg4[%add3A_216, %dma_wait3A_221] : memref<16384x1024xf32, #tpu.memory_space<hbm>> -> memref<32x1024xf32, #tpu.memory_space<hbm>>
    %dma_wait3A_223 = arith.constant 0 : i32
    %dma_wait3A_224 = tpu.memref_slice %arg4[%add3A_216, %dma_wait3A_223] : memref<16384x1024xf32, #tpu.memory_space<hbm>> -> memref<32x1024xf32, #tpu.memory_space<hbm>>
    tpu.wait_dma2 semaphore(%arg12 : memref<!tpu.dma_semaphore, #tpu.memory_space<semaphore_mem>>) src(%arg6 : memref<32x1024xf32, #tpu.memory_space<vmem>>) dst(%dma_wait3A_224 : memref<32x1024xf32, #tpu.memory_space<hbm>>)
    %dma_start3A_225 = arith.constant 384 : i32
    %dma_start3A_226 = tpu.memref_slice %arg5[%dma_start3A_225] : memref<512xi32, #tpu.memory_space<vmem>> -> memref<32xi32, #tpu.memory_space<vmem>>
    %dma_start3A_227 = arith.constant 0 : i32
    %dma_start3A_228 = arith.constant 0 : i32
    %dma_start3A_229 = tpu.memref_slice %arg3[%dma_start3A_227, %dma_start3A_228] : memref<100000x1024xf32, #tpu.memory_space<hbm>> -> memref<100000x1024xf32, #tpu.memory_space<hbm>>
    tpu.enqueue_indirect_dma source(%dma_start3A_229 : memref<100000x1024xf32, #tpu.memory_space<hbm>>) target(%arg6 : memref<32x1024xf32, #tpu.memory_space<vmem>>) offsets(%dma_start3A_226 : memref<32xi32, #tpu.memory_space<vmem>>) semaphore(%arg9 : memref<!tpu.dma_semaphore, #tpu.memory_space<semaphore_mem>>)
    %dma_wait3A_230 = arith.constant 320 : i32
    %dma_wait3A_231 = tpu.memref_slice %arg5[%dma_wait3A_230] : memref<512xi32, #tpu.memory_space<vmem>> -> memref<32xi32, #tpu.memory_space<vmem>>
    %dma_wait3A_232 = arith.constant 0 : i32
    %dma_wait3A_233 = arith.constant 0 : i32
    %dma_wait3A_234 = tpu.memref_slice %arg3[%dma_wait3A_232, %dma_wait3A_233] : memref<100000x1024xf32, #tpu.memory_space<hbm>> -> memref<100000x1024xf32, #tpu.memory_space<hbm>>
    tpu.wait_indirect_dma semaphore(%arg10 : memref<!tpu.dma_semaphore, #tpu.memory_space<semaphore_mem>>) src(%dma_wait3A_234 : memref<100000x1024xf32, #tpu.memory_space<hbm>>) dst(%arg7 : memref<32x1024xf32, #tpu.memory_space<vmem>>)
    %add3A_235 = arith.constant 320 : i32
    %add3A_236 = arith.addi %mul3A_2, %add3A_235 : i32
    %dma_start3A_237 = arith.constant 0 : i32
    %dma_start3A_238 = tpu.memref_slice %arg4[%add3A_236, %dma_start3A_237] : memref<16384x1024xf32, #tpu.memory_space<hbm>> -> memref<32x1024xf32, #tpu.memory_space<hbm>>
    %dma_start3A_239 = arith.constant 0 : i32
    %dma_start3A_240 = tpu.memref_slice %arg4[%add3A_236, %dma_start3A_239] : memref<16384x1024xf32, #tpu.memory_space<hbm>> -> memref<32x1024xf32, #tpu.memory_space<hbm>>
    tpu.enqueue_dma source(%arg7 : memref<32x1024xf32, #tpu.memory_space<vmem>>) target(%dma_start3A_240 : memref<32x1024xf32, #tpu.memory_space<hbm>>) target_semaphore(%arg13 : memref<!tpu.dma_semaphore, #tpu.memory_space<semaphore_mem>>)
    %dma_wait3A_241 = arith.constant 0 : i32
    %dma_wait3A_242 = tpu.memref_slice %arg4[%add3A_236, %dma_wait3A_241] : memref<16384x1024xf32, #tpu.memory_space<hbm>> -> memref<32x1024xf32, #tpu.memory_space<hbm>>
    %dma_wait3A_243 = arith.constant 0 : i32
    %dma_wait3A_244 = tpu.memref_slice %arg4[%add3A_236, %dma_wait3A_243] : memref<16384x1024xf32, #tpu.memory_space<hbm>> -> memref<32x1024xf32, #tpu.memory_space<hbm>>
    tpu.wait_dma2 semaphore(%arg13 : memref<!tpu.dma_semaphore, #tpu.memory_space<semaphore_mem>>) src(%arg7 : memref<32x1024xf32, #tpu.memory_space<vmem>>) dst(%dma_wait3A_244 : memref<32x1024xf32, #tpu.memory_space<hbm>>)
    %dma_start3A_245 = arith.constant 416 : i32
    %dma_start3A_246 = tpu.memref_slice %arg5[%dma_start3A_245] : memref<512xi32, #tpu.memory_space<vmem>> -> memref<32xi32, #tpu.memory_space<vmem>>
    %dma_start3A_247 = arith.constant 0 : i32
    %dma_start3A_248 = arith.constant 0 : i32
    %dma_start3A_249 = tpu.memref_slice %arg3[%dma_start3A_247, %dma_start3A_248] : memref<100000x1024xf32, #tpu.memory_space<hbm>> -> memref<100000x1024xf32, #tpu.memory_space<hbm>>
    tpu.enqueue_indirect_dma source(%dma_start3A_249 : memref<100000x1024xf32, #tpu.memory_space<hbm>>) target(%arg7 : memref<32x1024xf32, #tpu.memory_space<vmem>>) offsets(%dma_start3A_246 : memref<32xi32, #tpu.memory_space<vmem>>) semaphore(%arg10 : memref<!tpu.dma_semaphore, #tpu.memory_space<semaphore_mem>>)
    %dma_wait3A_250 = arith.constant 352 : i32
    %dma_wait3A_251 = tpu.memref_slice %arg5[%dma_wait3A_250] : memref<512xi32, #tpu.memory_space<vmem>> -> memref<32xi32, #tpu.memory_space<vmem>>
    %dma_wait3A_252 = arith.constant 0 : i32
    %dma_wait3A_253 = arith.constant 0 : i32
    %dma_wait3A_254 = tpu.memref_slice %arg3[%dma_wait3A_252, %dma_wait3A_253] : memref<100000x1024xf32, #tpu.memory_space<hbm>> -> memref<100000x1024xf32, #tpu.memory_space<hbm>>
    tpu.wait_indirect_dma semaphore(%arg11 : memref<!tpu.dma_semaphore, #tpu.memory_space<semaphore_mem>>) src(%dma_wait3A_254 : memref<100000x1024xf32, #tpu.memory_space<hbm>>) dst(%arg8 : memref<32x1024xf32, #tpu.memory_space<vmem>>)
    %add3A_255 = arith.constant 352 : i32
    %add3A_256 = arith.addi %mul3A_2, %add3A_255 : i32
    %dma_start3A_257 = arith.constant 0 : i32
    %dma_start3A_258 = tpu.memref_slice %arg4[%add3A_256, %dma_start3A_257] : memref<16384x1024xf32, #tpu.memory_space<hbm>> -> memref<32x1024xf32, #tpu.memory_space<hbm>>
    %dma_start3A_259 = arith.constant 0 : i32
    %dma_start3A_260 = tpu.memref_slice %arg4[%add3A_256, %dma_start3A_259] : memref<16384x1024xf32, #tpu.memory_space<hbm>> -> memref<32x1024xf32, #tpu.memory_space<hbm>>
    tpu.enqueue_dma source(%arg8 : memref<32x1024xf32, #tpu.memory_space<vmem>>) target(%dma_start3A_260 : memref<32x1024xf32, #tpu.memory_space<hbm>>) target_semaphore(%arg14 : memref<!tpu.dma_semaphore, #tpu.memory_space<semaphore_mem>>)
    %dma_wait3A_261 = arith.constant 0 : i32
    %dma_wait3A_262 = tpu.memref_slice %arg4[%add3A_256, %dma_wait3A_261] : memref<16384x1024xf32, #tpu.memory_space<hbm>> -> memref<32x1024xf32, #tpu.memory_space<hbm>>
    %dma_wait3A_263 = arith.constant 0 : i32
    %dma_wait3A_264 = tpu.memref_slice %arg4[%add3A_256, %dma_wait3A_263] : memref<16384x1024xf32, #tpu.memory_space<hbm>> -> memref<32x1024xf32, #tpu.memory_space<hbm>>
    tpu.wait_dma2 semaphore(%arg14 : memref<!tpu.dma_semaphore, #tpu.memory_space<semaphore_mem>>) src(%arg8 : memref<32x1024xf32, #tpu.memory_space<vmem>>) dst(%dma_wait3A_264 : memref<32x1024xf32, #tpu.memory_space<hbm>>)
    %dma_start3A_265 = arith.constant 448 : i32
    %dma_start3A_266 = tpu.memref_slice %arg5[%dma_start3A_265] : memref<512xi32, #tpu.memory_space<vmem>> -> memref<32xi32, #tpu.memory_space<vmem>>
    %dma_start3A_267 = arith.constant 0 : i32
    %dma_start3A_268 = arith.constant 0 : i32
    %dma_start3A_269 = tpu.memref_slice %arg3[%dma_start3A_267, %dma_start3A_268] : memref<100000x1024xf32, #tpu.memory_space<hbm>> -> memref<100000x1024xf32, #tpu.memory_space<hbm>>
    tpu.enqueue_indirect_dma source(%dma_start3A_269 : memref<100000x1024xf32, #tpu.memory_space<hbm>>) target(%arg8 : memref<32x1024xf32, #tpu.memory_space<vmem>>) offsets(%dma_start3A_266 : memref<32xi32, #tpu.memory_space<vmem>>) semaphore(%arg11 : memref<!tpu.dma_semaphore, #tpu.memory_space<semaphore_mem>>)
    %dma_wait3A_270 = arith.constant 384 : i32
    %dma_wait3A_271 = tpu.memref_slice %arg5[%dma_wait3A_270] : memref<512xi32, #tpu.memory_space<vmem>> -> memref<32xi32, #tpu.memory_space<vmem>>
    %dma_wait3A_272 = arith.constant 0 : i32
    %dma_wait3A_273 = arith.constant 0 : i32
    %dma_wait3A_274 = tpu.memref_slice %arg3[%dma_wait3A_272, %dma_wait3A_273] : memref<100000x1024xf32, #tpu.memory_space<hbm>> -> memref<100000x1024xf32, #tpu.memory_space<hbm>>
    tpu.wait_indirect_dma semaphore(%arg9 : memref<!tpu.dma_semaphore, #tpu.memory_space<semaphore_mem>>) src(%dma_wait3A_274 : memref<100000x1024xf32, #tpu.memory_space<hbm>>) dst(%arg6 : memref<32x1024xf32, #tpu.memory_space<vmem>>)
    %add3A_275 = arith.constant 384 : i32
    %add3A_276 = arith.addi %mul3A_2, %add3A_275 : i32
    %dma_start3A_277 = arith.constant 0 : i32
    %dma_start3A_278 = tpu.memref_slice %arg4[%add3A_276, %dma_start3A_277] : memref<16384x1024xf32, #tpu.memory_space<hbm>> -> memref<32x1024xf32, #tpu.memory_space<hbm>>
    %dma_start3A_279 = arith.constant 0 : i32
    %dma_start3A_280 = tpu.memref_slice %arg4[%add3A_276, %dma_start3A_279] : memref<16384x1024xf32, #tpu.memory_space<hbm>> -> memref<32x1024xf32, #tpu.memory_space<hbm>>
    tpu.enqueue_dma source(%arg6 : memref<32x1024xf32, #tpu.memory_space<vmem>>) target(%dma_start3A_280 : memref<32x1024xf32, #tpu.memory_space<hbm>>) target_semaphore(%arg12 : memref<!tpu.dma_semaphore, #tpu.memory_space<semaphore_mem>>)
    %dma_wait3A_281 = arith.constant 0 : i32
    %dma_wait3A_282 = tpu.memref_slice %arg4[%add3A_276, %dma_wait3A_281] : memref<16384x1024xf32, #tpu.memory_space<hbm>> -> memref<32x1024xf32, #tpu.memory_space<hbm>>
    %dma_wait3A_283 = arith.constant 0 : i32
    %dma_wait3A_284 = tpu.memref_slice %arg4[%add3A_276, %dma_wait3A_283] : memref<16384x1024xf32, #tpu.memory_space<hbm>> -> memref<32x1024xf32, #tpu.memory_space<hbm>>
    tpu.wait_dma2 semaphore(%arg12 : memref<!tpu.dma_semaphore, #tpu.memory_space<semaphore_mem>>) src(%arg6 : memref<32x1024xf32, #tpu.memory_space<vmem>>) dst(%dma_wait3A_284 : memref<32x1024xf32, #tpu.memory_space<hbm>>)
    %dma_start3A_285 = arith.constant 480 : i32
    %dma_start3A_286 = tpu.memref_slice %arg5[%dma_start3A_285] : memref<512xi32, #tpu.memory_space<vmem>> -> memref<32xi32, #tpu.memory_space<vmem>>
    %dma_start3A_287 = arith.constant 0 : i32
    %dma_start3A_288 = arith.constant 0 : i32
    %dma_start3A_289 = tpu.memref_slice %arg3[%dma_start3A_287, %dma_start3A_288] : memref<100000x1024xf32, #tpu.memory_space<hbm>> -> memref<100000x1024xf32, #tpu.memory_space<hbm>>
    tpu.enqueue_indirect_dma source(%dma_start3A_289 : memref<100000x1024xf32, #tpu.memory_space<hbm>>) target(%arg6 : memref<32x1024xf32, #tpu.memory_space<vmem>>) offsets(%dma_start3A_286 : memref<32xi32, #tpu.memory_space<vmem>>) semaphore(%arg9 : memref<!tpu.dma_semaphore, #tpu.memory_space<semaphore_mem>>)
    %dma_wait3A_290 = arith.constant 416 : i32
    %dma_wait3A_291 = tpu.memref_slice %arg5[%dma_wait3A_290] : memref<512xi32, #tpu.memory_space<vmem>> -> memref<32xi32, #tpu.memory_space<vmem>>
    %dma_wait3A_292 = arith.constant 0 : i32
    %dma_wait3A_293 = arith.constant 0 : i32
    %dma_wait3A_294 = tpu.memref_slice %arg3[%dma_wait3A_292, %dma_wait3A_293] : memref<100000x1024xf32, #tpu.memory_space<hbm>> -> memref<100000x1024xf32, #tpu.memory_space<hbm>>
    tpu.wait_indirect_dma semaphore(%arg10 : memref<!tpu.dma_semaphore, #tpu.memory_space<semaphore_mem>>) src(%dma_wait3A_294 : memref<100000x1024xf32, #tpu.memory_space<hbm>>) dst(%arg7 : memref<32x1024xf32, #tpu.memory_space<vmem>>)
    %add3A_295 = arith.constant 416 : i32
    %add3A_296 = arith.addi %mul3A_2, %add3A_295 : i32
    %dma_start3A_297 = arith.constant 0 : i32
    %dma_start3A_298 = tpu.memref_slice %arg4[%add3A_296, %dma_start3A_297] : memref<16384x1024xf32, #tpu.memory_space<hbm>> -> memref<32x1024xf32, #tpu.memory_space<hbm>>
    %dma_start3A_299 = arith.constant 0 : i32
    %dma_start3A_300 = tpu.memref_slice %arg4[%add3A_296, %dma_start3A_299] : memref<16384x1024xf32, #tpu.memory_space<hbm>> -> memref<32x1024xf32, #tpu.memory_space<hbm>>
    tpu.enqueue_dma source(%arg7 : memref<32x1024xf32, #tpu.memory_space<vmem>>) target(%dma_start3A_300 : memref<32x1024xf32, #tpu.memory_space<hbm>>) target_semaphore(%arg13 : memref<!tpu.dma_semaphore, #tpu.memory_space<semaphore_mem>>)
    %dma_wait3A_301 = arith.constant 448 : i32
    %dma_wait3A_302 = tpu.memref_slice %arg5[%dma_wait3A_301] : memref<512xi32, #tpu.memory_space<vmem>> -> memref<32xi32, #tpu.memory_space<vmem>>
    %dma_wait3A_303 = arith.constant 0 : i32
    %dma_wait3A_304 = arith.constant 0 : i32
    %dma_wait3A_305 = tpu.memref_slice %arg3[%dma_wait3A_303, %dma_wait3A_304] : memref<100000x1024xf32, #tpu.memory_space<hbm>> -> memref<100000x1024xf32, #tpu.memory_space<hbm>>
    tpu.wait_indirect_dma semaphore(%arg11 : memref<!tpu.dma_semaphore, #tpu.memory_space<semaphore_mem>>) src(%dma_wait3A_305 : memref<100000x1024xf32, #tpu.memory_space<hbm>>) dst(%arg8 : memref<32x1024xf32, #tpu.memory_space<vmem>>)
    %add3A_306 = arith.constant 448 : i32
    %add3A_307 = arith.addi %mul3A_2, %add3A_306 : i32
    %dma_start3A_308 = arith.constant 0 : i32
    %dma_start3A_309 = tpu.memref_slice %arg4[%add3A_307, %dma_start3A_308] : memref<16384x1024xf32, #tpu.memory_space<hbm>> -> memref<32x1024xf32, #tpu.memory_space<hbm>>
    %dma_start3A_310 = arith.constant 0 : i32
    %dma_start3A_311 = tpu.memref_slice %arg4[%add3A_307, %dma_start3A_310] : memref<16384x1024xf32, #tpu.memory_space<hbm>> -> memref<32x1024xf32, #tpu.memory_space<hbm>>
    tpu.enqueue_dma source(%arg8 : memref<32x1024xf32, #tpu.memory_space<vmem>>) target(%dma_start3A_311 : memref<32x1024xf32, #tpu.memory_space<hbm>>) target_semaphore(%arg14 : memref<!tpu.dma_semaphore, #tpu.memory_space<semaphore_mem>>)
    %dma_wait3A_312 = arith.constant 480 : i32
    %dma_wait3A_313 = tpu.memref_slice %arg5[%dma_wait3A_312] : memref<512xi32, #tpu.memory_space<vmem>> -> memref<32xi32, #tpu.memory_space<vmem>>
    %dma_wait3A_314 = arith.constant 0 : i32
    %dma_wait3A_315 = arith.constant 0 : i32
    %dma_wait3A_316 = tpu.memref_slice %arg3[%dma_wait3A_314, %dma_wait3A_315] : memref<100000x1024xf32, #tpu.memory_space<hbm>> -> memref<100000x1024xf32, #tpu.memory_space<hbm>>
    tpu.wait_indirect_dma semaphore(%arg9 : memref<!tpu.dma_semaphore, #tpu.memory_space<semaphore_mem>>) src(%dma_wait3A_316 : memref<100000x1024xf32, #tpu.memory_space<hbm>>) dst(%arg6 : memref<32x1024xf32, #tpu.memory_space<vmem>>)
    %add3A_317 = arith.constant 480 : i32
    %add3A_318 = arith.addi %mul3A_2, %add3A_317 : i32
    %dma_start3A_319 = arith.constant 0 : i32
    %dma_start3A_320 = tpu.memref_slice %arg4[%add3A_318, %dma_start3A_319] : memref<16384x1024xf32, #tpu.memory_space<hbm>> -> memref<32x1024xf32, #tpu.memory_space<hbm>>
    %dma_start3A_321 = arith.constant 0 : i32
    %dma_start3A_322 = tpu.memref_slice %arg4[%add3A_318, %dma_start3A_321] : memref<16384x1024xf32, #tpu.memory_space<hbm>> -> memref<32x1024xf32, #tpu.memory_space<hbm>>
    tpu.enqueue_dma source(%arg6 : memref<32x1024xf32, #tpu.memory_space<vmem>>) target(%dma_start3A_322 : memref<32x1024xf32, #tpu.memory_space<hbm>>) target_semaphore(%arg12 : memref<!tpu.dma_semaphore, #tpu.memory_space<semaphore_mem>>)
    %dma_wait3A_323 = arith.constant 0 : i32
    %dma_wait3A_324 = tpu.memref_slice %arg4[%add3A_296, %dma_wait3A_323] : memref<16384x1024xf32, #tpu.memory_space<hbm>> -> memref<32x1024xf32, #tpu.memory_space<hbm>>
    %dma_wait3A_325 = arith.constant 0 : i32
    %dma_wait3A_326 = tpu.memref_slice %arg4[%add3A_296, %dma_wait3A_325] : memref<16384x1024xf32, #tpu.memory_space<hbm>> -> memref<32x1024xf32, #tpu.memory_space<hbm>>
    tpu.wait_dma2 semaphore(%arg13 : memref<!tpu.dma_semaphore, #tpu.memory_space<semaphore_mem>>) src(%arg7 : memref<32x1024xf32, #tpu.memory_space<vmem>>) dst(%dma_wait3A_326 : memref<32x1024xf32, #tpu.memory_space<hbm>>)
    %dma_wait3A_327 = arith.constant 0 : i32
    %dma_wait3A_328 = tpu.memref_slice %arg4[%add3A_307, %dma_wait3A_327] : memref<16384x1024xf32, #tpu.memory_space<hbm>> -> memref<32x1024xf32, #tpu.memory_space<hbm>>
    %dma_wait3A_329 = arith.constant 0 : i32
    %dma_wait3A_330 = tpu.memref_slice %arg4[%add3A_307, %dma_wait3A_329] : memref<16384x1024xf32, #tpu.memory_space<hbm>> -> memref<32x1024xf32, #tpu.memory_space<hbm>>
    tpu.wait_dma2 semaphore(%arg14 : memref<!tpu.dma_semaphore, #tpu.memory_space<semaphore_mem>>) src(%arg8 : memref<32x1024xf32, #tpu.memory_space<vmem>>) dst(%dma_wait3A_330 : memref<32x1024xf32, #tpu.memory_space<hbm>>)
    %dma_wait3A_331 = arith.constant 0 : i32
    %dma_wait3A_332 = tpu.memref_slice %arg4[%add3A_318, %dma_wait3A_331] : memref<16384x1024xf32, #tpu.memory_space<hbm>> -> memref<32x1024xf32, #tpu.memory_space<hbm>>
    %dma_wait3A_333 = arith.constant 0 : i32
    %dma_wait3A_334 = tpu.memref_slice %arg4[%add3A_318, %dma_wait3A_333] : memref<16384x1024xf32, #tpu.memory_space<hbm>> -> memref<32x1024xf32, #tpu.memory_space<hbm>>
    tpu.wait_dma2 semaphore(%arg12 : memref<!tpu.dma_semaphore, #tpu.memory_space<semaphore_mem>>) src(%arg6 : memref<32x1024xf32, #tpu.memory_space<vmem>>) dst(%dma_wait3A_334 : memref<32x1024xf32, #tpu.memory_space<hbm>>)
    return
  }
}

</mosaic_0001>

<sc_bundles>
// kernel: _lookup.3.cloned.1.call-start
scs
__scs_entry_jumppad:
0x0: {  	(pc) =	sbr.rel $0x88, $3  }
0x1: {  	(tag) =	ssettag $0x0;
	lr =	simm.s32 $0x1  }
0x2: {  	[smem:$0x3F9F] =	sst lr;
	_ =	strace $0xD0000000  }
0x3: {  	_ = 	snop  }
0x4: {  	_ = 	snop  }
0x5: {  	_ = 	snop  }
0x6: {  	_ = 	snop  }
0x7: {  	_ = 	snop  }
__scs_overlays_trampoline_lowered:
0x8: {  	[smem:$0x3FAE] =	sst s0  }
0x9: {  	[smem:$0x3FAF] =	sst s1  }
0xa: {  	[smem:$0x3FB0] =	sst s2  }
0xb: {  	[smem:$0x3FB1] =	sst s3  }
0xc: {  	[smem:$0x3FB2] =	sst s4  }
0xd: {  	[smem:$0x3FB3] =	sst s5  }
0xe: {  	[smem:$0x3FB4] =	sst s6  }
0xf: {  	[smem:$0x3FB5] =	sst s7  }
0x10: {  	[smem:$0x3FB6] =	sst s8  }
0x11: {  	[smem:$0x3FB7] =	sst s9;
	s0 =	simm.s32 @!p0 $0x0  }
0x12: {  	s1 =	sld [smem:$0x3F9D];
	s0 =	simm.s32 @p0 $0x1  }
0x13: {  	[smem:$0x3FB8] =	sst s0;
	s0 =	simm.s32 @!p1 $0x0  }
0x14: {  	s2 =	sld [smem:$0x3F9C];
	s0 =	simm.s32 @p1 $0x1  }
0x15: {  	[smem:$0x3FB9] =	sst s0;
	s0 =	simm.s32 @!p2 $0x0  }
0x16: {  	s3 =	sld [smem:$0x3FDB];
	s0 =	simm.s32 @p2 $0x1  }
0x17: {  	s4 =	simm.s32 $0x1BF5;
	[smem:$0x3FBB] =	sst s0  }
0x18: {  	s0 =	sld [smem:$0x3F9E];
	_ =	swait.ge [sflag:s4], $0x0  }
0x19: {  	s7 =	sld [smem:$0x3F9F]  }
0x1a: {  	s8 =	sadd.s32 $0xFFFFE003, lr  }
0x1b: {  	s9 =	sadd.s32 $0xFFFFFEF7, lr;
	s5 =	simm.s32 $0xFFFFFFFF;
	p2 =	slt.u32 s8, $0xFFFFF086  }
0x1c: {  	p1 =	slt.u32 s9, $0xF7A;
	s5 =	simm.s32 @!p2 $0x0  }
0x1d: {  	s5 =	simm.s32 @p1 $0x1;
	p0 =	seq.s32 s7, s2  }
0x1e: {  	s7 =	smul.u32 @!p0 $0xF7A, s2;
	p2 =	seq.s32 @!p0 s5, $0x0  }
0x1f: {  	s9 =	smul.u32 $0xF7A, s1;
	s8 =	simm.s32 @!p0 $0x1BF5;
	p2 =	por !p2, p0  }
0x20: {  	[sflag:s8] =	ssyncset.s32 @!p0 $0xFFFFF086;
	s6 =	sadd.s32 @!p0 s3, s7;
	s7 =	simm.s32 @!p0 $0x108  }
0x21: {  	s3 =	sadd.s32 s3, s9;
	s6 =	sadd.s32 @!p0 $0x88, s6;
	s7 =	simm.s32 @p2 $0x1082  }
0x22: {  	[simem:s7], [sflag:s8] =	dma.local @!p0 [hbm:s6], $0xF7A  }
0x23: {  	s9 =	sor.u32 $0xD0000000, s2;
	s6 =	simm.s32 $0x108;
	_ =	swait.ge @!p0 [sflag:s8], $0x0  }
0x24: {  	s3 =	sadd.s32 $0x88, s3;
	s6 =	simm.s32 @!p1 $0x1082;
	[sflag:s4] =	ssyncset.s32 $0xFFFFF086  }
0x25: {  	[simem:s6], [sflag:s4] =	dma.local [hbm:s3], $0xF7A  }
0x26: {  	[smem:$0x3F9F] =	sst s1;
	(tag) =	ssettag s2;
	_ =	strace s9  }
0x27: {  	s1 =	sld [smem:$0x3FAF]  }
0x28: {  	s2 =	sld [smem:$0x3FB0]  }
0x29: {  	s4 =	sld [smem:$0x3FB2]  }
0x2a: {  	p0 =	seq.s32 s5, $0x0;
	s5 =	sld [smem:$0x3FB3]  }
0x2b: {  	s6 =	sld [smem:$0x3FB4]  }
0x2c: {  	s7 =	sld [smem:$0x3FB5]  }
0x2d: {  	s3 =	simm.s32 $0x108;
	s8 =	sld [smem:$0x3FB6]  }
0x2e: {  	s3 =	simm.s32 @!p0 $0x1082;
	s9 =	sld [smem:$0x3FB7]  }
0x2f: {  	lr =	sadd.s32 s0, s3;
	s0 =	sld [smem:$0x3FAE]  }
0x30: {  	s3 =	sld [smem:$0x3FB1]  }
0x31: {  	[smem:$0x3FBA] =	sst s10  }
0x32: {  	s10 =	sld [smem:$0x3FB8];
	_ =	sdelay $0x3  }
0x33: {  	p0 =	seq.s32 s10, $0x1;
	s10 =	sld [smem:$0x3FBA];
	_ =	sdelay $0x3  }
0x34: {  	[smem:$0x3FBA] =	sst s10  }
0x35: {  	s10 =	sld [smem:$0x3FB9];
	_ =	sdelay $0x3  }
0x36: {  	p1 =	seq.s32 s10, $0x1;
	s10 =	sld [smem:$0x3FBA];
	_ =	sdelay $0x3  }
0x37: {  	[smem:$0x3FBA] =	sst s10  }
0x38: {  	s10 =	sld [smem:$0x3FBB]  }
0x39: {  	_ = 	snop;
	(pc) =	sbr.ind lr, $3  }
0x3a: {  	_ = 	snop  }
0x3b: {  	_ = 	snop  }
0x3c: {  	p2 =	seq.s32 s10, $0x1;
	s10 =	sld [smem:$0x3FBA]  }
0x3d: {  	_ =	shalt  }
0x3e: {  	_ =	shalt  }
0x3f: {  	_ =	shalt  }
0x40: {  	_ =	shalt  }
0x41: {  	_ =	shalt  }
0x42: {  	_ =	shalt  }
0x43: {  	_ =	shalt  }
0x44: {  	_ =	shalt  }
0x45: {  	_ =	shalt  }
0x46: {  	_ =	shalt  }
0x47: {  	_ =	shalt  }
0x48: {  	_ =	shalt  }
0x49: {  	_ =	shalt  }
0x4a: {  	_ =	shalt  }
0x4b: {  	_ =	shalt  }
0x4c: {  	_ =	shalt  }
0x4d: {  	_ =	shalt  }
0x4e: {  	_ =	shalt  }
0x4f: {  	_ =	shalt  }
0x50: {  	_ =	shalt  }
0x51: {  	_ =	shalt  }
0x52: {  	_ =	shalt  }
0x53: {  	_ =	shalt  }
0x54: {  	_ =	shalt  }
0x55: {  	_ =	shalt  }
0x56: {  	_ =	shalt  }
0x57: {  	_ =	shalt  }
0x58: {  	_ =	shalt  }
0x59: {  	_ =	shalt  }
0x5a: {  	_ =	shalt  }
0x5b: {  	_ =	shalt  }
0x5c: {  	_ =	shalt  }
0x5d: {  	_ =	shalt  }
0x5e: {  	_ =	shalt  }
0x5f: {  	_ =	shalt  }
0x60: {  	_ =	shalt  }
0x61: {  	_ =	shalt  }
0x62: {  	_ =	shalt  }
0x63: {  	_ =	shalt  }
0x64: {  	_ =	shalt  }
0x65: {  	_ =	shalt  }
0x66: {  	_ =	shalt  }
0x67: {  	_ =	shalt  }
0x68: {  	_ =	shalt  }
0x69: {  	_ =	shalt  }
0x6a: {  	_ =	shalt  }
0x6b: {  	_ =	shalt  }
0x6c: {  	_ =	shalt  }
0x6d: {  	_ =	shalt  }
0x6e: {  	_ =	shalt  }
0x6f: {  	_ =	shalt  }
0x70: {  	_ =	shalt  }
0x71: {  	_ =	shalt  }
0x72: {  	_ =	shalt  }
0x73: {  	_ =	shalt  }
0x74: {  	_ =	shalt  }
0x75: {  	_ =	shalt  }
0x76: {  	_ =	shalt  }
0x77: {  	_ =	shalt  }
0x78: {  	_ =	shalt  }
0x79: {  	_ =	shalt  }
0x7a: {  	_ =	shalt  }
0x7b: {  	_ =	shalt  }
0x7c: {  	_ =	shalt  }
0x7d: {  	_ =	shalt  }
0x7e: {  	_ =	shalt  }
0x7f: {  	_ =	shalt  }
0x80: {  	_ =	shalt  }
0x81: {  	_ =	shalt  }
0x82: {  	_ =	shalt  }
0x83: {  	_ =	shalt  }
0x84: {  	_ =	shalt  }
0x85: {  	_ =	shalt  }
0x86: {  	_ =	shalt  }
0x87: {  	_ =	shalt  }
.Lfunc_end0:
.L_simem_size_0:
called_computation_lowered:
.L_overlay_start_0:
0x88: {  	s2 =	sld [smem:$0x3FD9]  }
0x89: {  	s3 =	sld [smem:$0x3FFE];
	_ =	sdelay $0x1  }
0x8a: {  	s1 =	srdreg.scid  }
0x8b: {  	s0 =	sand.u32 $0x1, s1  }
0x8c: {  	s18 =	sshll.u32 s0, $0xA;
	s2 =	sadd.s32 s3, s2  }
0x8d: {  	s2 =	sadd.s32 s2, s18  }
0x8e: {  	[smem:$0x3FC6] =	sst s2  }
0x8f: {  	_ = 	snop  }
0x90: {  	s2 =	sld [smem:$0x3FC9]  }
0x91: {  	s19 =	sld [smem:$0x3FC8]  }
0x92: {  	s4 =	sld [smem:$0x3FD0];
	(tm) =	ssettm $0x1  }
0x93: {  	s5 =	sld [smem:$0x3FFB];
	_ =	sdelay $0x3  }
0x94: {  	_ =	strace s5  }
0x95: {  	s5 =	sld [smem:$0x3FFC];
	_ =	sdelay $0x3  }
0x96: {  	_ =	strace s5  }
0x97: {  	s5 =	sld [smem:$0x3FFD];
	_ =	sdelay $0x3  }
0x98: {  	_ =	strace s5  }
0x99: {  	_ =	strace $0x8FFFFFFF  }
0x9a: {  	s20 =	sld [smem:$0x3FDB];
	_ =	sdelay $0x1  }
0x9b: {  	s6 =	simm.s32 $_scs_section_size  }
0x9c: {  	s7 =	simm.s32 $_size__tile_overlayer_lowered;
	s8 =	simm.s32 $_tile_overlayer_lowered  }
0x9d: {  	s23 =	simm.s32 $0x1BFF;
	s22 =	sshll.u32 s8, $0x1;
	s5 =	sadd.s32 s6, s20  }
0x9e: {  	s9 =	simm.s32 $0x0;
	s21 =	sshll.u32 s7, $0x1;
	s7 =	sadd.s32 s22, s5  }
0x9f: {  	[timem:s9], [sflag:s23] =	dma.local [hbm:s7], s21  }
0xa0: {  	_ =	swait.ge [sflag:s23], s21  }
0xa1: {  	s6 =	ssub.s32 $0x0, s21;
	[sflag:s23] =	ssyncset.done $0x0  }
0xa2: {  	[sflag:s23] =	ssyncadd.s32 s6;
	_ =	sdelay $0x1  }
0xa3: {  	s24 =	simm.s32 $0x1B8B  }
0xa4: {  	_ =	swait.ge [sflag:s24], $0x1  }
0xa5: {  	[sflag:s24] =	ssyncset.done $0x0  }
0xa6: {  	s25 =	simm.s32 $0x1B8E;
	[sflag:s24] =	ssyncadd.s32 $0xFFFFFFFF  }
0xa7: {  	s26 =	simm.s32 $execute0_lowered;
	[smem:$0x3FD2] =	sst s25  }
0xa8: {  	s6 =	sshll.u32 s26, $0x1;
	_ =	strace $0x80000046;
	[dreg:$0x1] =	wrdreg $0xFFFFFFFF  }
0xa9: {  	s28 =	simm.s32 $_size_execute0_lowered;
	s5 =	sadd.s32 s5, s6;
	[dreg:$0x0] =	wrdreg $0x0  }
0xaa: {  	s6 =	sshll.u32 s28, $0x1;
	[dreg:$0x2] =	wrdreg s5  }
0xab: {  	[dreg:$0x3] =	wrdreg s6  }
0xac: {  	[dreg:$0x4] =	wrdreg $0xC0  }
0xad: {  	_ =	task [dreg:s9], $0x5FFFF  }
0xae: {  	[dreg:$0x1] =	wrdreg $0xFFFFFFFF  }
0xaf: {  	[dreg:$0x0] =	wrdreg $0x60  }
0xb0: {  	[dreg:$0x2] =	wrdreg s2  }
0xb1: {  	[dreg:$0x3] =	wrdreg s19  }
0xb2: {  	[dreg:$0x4] =	wrdreg s4  }
0xb3: {  	[dreg:$0x5] =	wrdreg $0x9  }
0xb4: {  	_ =	task.clear_ibuf [dreg:s9], $0x6FFFF;
	_ =	strace $0x90000046  }
0xb5: {  	s29 =	simm.s32 $0x9;
	_ =	strace $0x80000048  }
0xb6: {  	_ =	swait.ge [sflag:s29], $0x1  }
0xb7: {  	[sflag:s29] =	ssyncadd.s32 $0xFFFFFFFF  }
0xb8: {  	_ =	strace $0x90000048  }
0xb9: {  	_ =	sfence  }
0xba: {  	s30 =	sld [smem:$0x0];
	_ =	sdelay $0x2  }
0xbb: {  	s31 =	sshll.u32 s1, $0xD;
	s1 =	sshrl.u32 s1, $0x2  }
0xbc: {  	s3 =	sand.u32 $0x4000, s31;
	s1 =	sadd.s32 s1, s30  }
0xbd: {  	s0 =	sor.u32 s3, s0;
	s1 =	sshll.u32 s1, $0x11  }
0xbe: {  	s0 =	sor.u32 s1, s0  }
0xbf: {  	s0 =	sadd.s32 $0x8F2B, s0  }
0xc0: {  	[sflag:s0] =	ssyncadd.remote.s32 $0x1  }
0xc1: {  	_ =	sfence.sel $0xFFFF  }
0xc2: {  	[dreg:$0x0] =	wrdreg $0xFFFFFFFF;
	(pc) =	sbr.abs _section_cstart, $3  }
0xc3: {  	[dreg:$0x1] =	wrdreg $0xFFFFFFFF  }
0xc4: {  	_ =	task.clear_ibuf [dreg:s9], $0x2FFFF;
	_ =	strace $0x9FFFFFFF  }
0xc5: {  	(tm) =	ssettm $0x7FFFFFFF  }
tec
execute0_lowered:
.L_overlay_start_1:
0x0: {  	(tag) =	ssettag $0x1  }
0x1: {  	s0 =	rddreg [dreg:$0x0]  }
0x2: {  	s1 =	srdreg.scid;
	s2 =	rddreg [dreg:$0x1]  }
0x3: {  	s3 =	stileid.u32;
	s4 =	rddreg [dreg:$0x2];
	s1 =	sand.u32 $0x1, s1  }
0x4: {  	s5 =	sshll.u32 s3, $0xA;
	s3 =	simm.s32 $0x0;
	s6 =	sshll.u32 s1, $0x9  }
0x5: {  	s28 =	simm.s32 $0x20;
	[smem:$0x7FF] =	sst s3;
	s5 =	sor.u32 s6, s5  }
0x6: {  	_ =	strace $0x80000047;
	[dreg:$0x15] =	wrdreg s28;
	s6 =	sshrl.u32 s5, $0x3  }
0x7: {  	s7 =	sor.u32 $0x20, s5;
	s5 =	sshll.u32 s5, $0x7;
	s6 =	sadd.s32 s0, s6  }
0x8: {  	s8 =	sshrl.u32 s7, $0x3;
	s10 =	sadd.s32 s4, s5;
	[dreg:$0x4] =	wrdreg s6  }
0x9: {  	s9 =	sshll.u32 s7, $0x7;
	s0 =	sadd.s32 s0, s8;
	[dreg:$0x16] =	wrdreg s10  }
0xa: {  	s11 =	sadd.s32 s4, s9;
	[dreg:$0x5] =	wrdreg s0  }
0xb: {  	s29 =	simm.s32 $0x5;
	s12 =	sadd.s32 $0x2000, s10;
	[dreg:$0x6] =	wrdreg s11  }
0xc: {  	s31 =	simm.s32 $0x3;
	s13 =	sadd.s32 $0x3000, s10;
	[dreg:$0x7] =	wrdreg s12  }
0xd: {  	s30 =	simm.s32 $0x8200;
	s14 =	sadd.s32 $0x4000, s10;
	[dreg:$0x8] =	wrdreg s13  }
0xe: {  	s1 =	ssub.s32 $0x2, s1;
	s15 =	sadd.s32 $0x5000, s10;
	[dreg:$0x9] =	wrdreg s14  }
0xf: {  	s22 =	sshrl.u32 s1, $0x1;
	s16 =	sadd.s32 $0x6000, s10;
	[dreg:$0xa] =	wrdreg s15  }
0x10: {  	s1 =	ssub.s32 s1, s22;
	s17 =	sadd.s32 $0x7000, s10;
	[dreg:$0xb] =	wrdreg s16  }
0x11: {  	s5 =	sadd.s32 $0x100, s2;
	s18 =	sadd.s32 $0x8000, s10;
	[dreg:$0xc] =	wrdreg s17  }
0x12: {  	s7 =	sadd.s32 $0x300, s2;
	s19 =	sadd.s32 $0x9000, s10;
	[dreg:$0xd] =	wrdreg s18  }
0x13: {  	s20 =	sadd.s32 $0xA000, s10;
	s21 =	sadd.s32 $0xB000, s10;
	[dreg:$0xe] =	wrdreg s19  }
0x14: {  	s23 =	sadd.s32 $0xC000, s10;
	s24 =	sadd.s32 $0xD000, s10;
	[dreg:$0xf] =	wrdreg s20  }
0x15: {  	s25 =	sadd.s32 $0xE000, s10;
	s6 =	sadd.s32 $0x200, s2;
	[dreg:$0x10] =	wrdreg s21  }
0x16: {  	s26 =	sadd.s32 $0xF000, s10;
	s8 =	smax.u32 s1, $0x1;
	[dreg:$0x11] =	wrdreg s23  }
0x17: {  	v2 =	vlaneseq.u32;
	s4 =	simm.s32 $0x1;
	s9 =	simm.s32 $0x2;
	[dreg:$0x12] =	wrdreg s24  }
0x18: {  	vm0 =	vmmov $0xffff;
	v1 =	vshrl.u32 v2, $0x3;
	s1 =	simm.s32 $0x6;
	s10 =	simm.s32 $0x10200;
	[dreg:$0x13] =	wrdreg s25  }
0x19: {  	v0 =	vand.u32 $0x7, v2;
	v2 =	vor.u32 $0x8, v2;
	v1 =	vmul.u32 $0x8, v1;
	[dreg:$0x14] =	wrdreg s26;
	s25 =	simm.s32 $0x200;
	s26 =	simm.s32 $0x4  }
.LBB2_1:
0x1a: {  	s0 =	rddreg [dreg:$0x4];
	s12 =	simm.s32 $0x7  }
0x1b: {  	[tilespmem:s3], [sflag:$0x7] =	stream.linear.gather [hbm4b:s0+s3], $0x20, $0x38;
	[tilespmem:$0x18200] =	vst v63  }
0x1c: {  	_ =	swait.ge [sflag:s12], $0x20  }
0x1d: {  	s15 =	rddreg [dreg:$0x5];
	[sflag:s12] =	ssyncset.done $0x0  }
0x1e: {  	s11 =	rddreg [dreg:$0x15];
	[sflag:s12] =	ssyncadd.s32 $0xFFFFFFE0  }
0x1f: {  	[tilespmem:s11], [sflag:$0x4] =	stream.linear.gather [hbm4b:s15+s3], $0x1E0, $0x38;
	[tilespmem:$0x18200] =	vst v63  }
0x20: {  	v3 =	vld [tilespmem:$0x0];
	_ =	sdelay $0x4  }
0x21: {  	v4 =	vshll.u32 v3, $0x3  }
0x22: {  	v3 =	vand.u32 $0x7, v3;
	v4 =	vand.u32 $0xFFFFFFC0, v4  }
0x23: {  	v3 =	vor.u32 v3, v4  }
0x24: {  	v4 =	vperm.xlane v3, v0;
	_ =	sdelay $0x1  }
0x25: {  	v4 =	vadd.s32 v1, v4;
	_ =	sdelay $0x4  }
0x26: {  	[tilespmem:s25], [sflag:$0x1] =	stream.indirect_vreg.gather [hbm4b:s2+s3], $0x80, v4, vm0, $0xb8;
	[tilespmem:$0x18200] =	vst v63  }
0x27: {  	s16 =	simm.s32 $0xA00;
	v3 =	vperm.xlane v3, v2  }
0x28: {  	[tilespmem:s16], [sflag:$0x1] =	stream.indirect_vreg.gather [hbm4b:s5+s3], $0x80, v4, vm0, $0xb8;
	[tilespmem:$0x18200] =	vst v63  }
0x29: {  	s17 =	simm.s32 $0x1200;
	v3 =	vadd.s32 v1, v3  }
0x2a: {  	[tilespmem:s17], [sflag:$0x1] =	stream.indirect_vreg.gather [hbm4b:s6+s3], $0x80, v4, vm0, $0xb8;
	[tilespmem:$0x18200] =	vst v63  }
0x2b: {  	s18 =	simm.s32 $0x1A00  }
0x2c: {  	[tilespmem:s18], [sflag:$0x1] =	stream.indirect_vreg.gather [hbm4b:s7+s3], $0x80, v4, vm0, $0xb8;
	[tilespmem:$0x18200] =	vst v63  }
0x2d: {  	s19 =	simm.s32 $0x2200  }
0x2e: {  	[tilespmem:s19], [sflag:$0x1] =	stream.indirect_vreg.gather [hbm4b:s2+s3], $0x80, v3, vm0, $0xb8;
	[tilespmem:$0x18200] =	vst v63  }
0x2f: {  	s20 =	simm.s32 $0x2A00  }
0x30: {  	[tilespmem:s20], [sflag:$0x1] =	stream.indirect_vreg.gather [hbm4b:s5+s3], $0x80, v3, vm0, $0xb8;
	[tilespmem:$0x18200] =	vst v63  }
0x31: {  	s21 =	simm.s32 $0x3200  }
0x32: {  	[tilespmem:s21], [sflag:$0x1] =	stream.indirect_vreg.gather [hbm4b:s6+s3], $0x80, v3, vm0, $0xb8;
	[tilespmem:$0x18200] =	vst v63  }
0x33: {  	s22 =	simm.s32 $0x3A00  }
0x34: {  	[tilespmem:s22], [sflag:$0x1] =	stream.indirect_vreg.gather [hbm4b:s7+s3], $0x80, v3, vm0, $0xb8;
	[tilespmem:$0x18200] =	vst v63  }
0x35: {  	v3 =	vld [tilespmem:$0x10];
	_ =	sdelay $0x4  }
0x36: {  	v33 =	vshll.u32 v3, $0x3  }
0x37: {  	v3 =	vand.u32 $0x7, v3;
	v4 =	vand.u32 $0xFFFFFFC0, v33  }
0x38: {  	v3 =	vor.u32 v3, v4  }
0x39: {  	v4 =	vperm.xlane v3, v0;
	_ =	sdelay $0x1  }
0x3a: {  	v4 =	vadd.s32 v1, v4;
	_ =	sdelay $0x3  }
0x3b: {  	s23 =	simm.s32 $0x4200  }
0x3c: {  	[tilespmem:s23], [sflag:$0x1] =	stream.indirect_vreg.gather [hbm4b:s2+s3], $0x80, v4, vm0, $0xb8;
	[tilespmem:$0x18200] =	vst v63  }
0x3d: {  	s24 =	simm.s32 $0x4A00;
	v3 =	vperm.xlane v3, v2  }
0x3e: {  	[tilespmem:s24], [sflag:$0x1] =	stream.indirect_vreg.gather [hbm4b:s5+s3], $0x80, v4, vm0, $0xb8;
	[tilespmem:$0x18200] =	vst v63  }
0x3f: {  	s16 =	simm.s32 $0x5200;
	v3 =	vadd.s32 v1, v3  }
0x40: {  	[tilespmem:s16], [sflag:$0x1] =	stream.indirect_vreg.gather [hbm4b:s6+s3], $0x80, v4, vm0, $0xb8;
	[tilespmem:$0x18200] =	vst v63  }
0x41: {  	s17 =	simm.s32 $0x5A00  }
0x42: {  	[tilespmem:s17], [sflag:$0x1] =	stream.indirect_vreg.gather [hbm4b:s7+s3], $0x80, v4, vm0, $0xb8;
	[tilespmem:$0x18200] =	vst v63  }
0x43: {  	s18 =	simm.s32 $0x6200  }
0x44: {  	[tilespmem:s18], [sflag:$0x1] =	stream.indirect_vreg.gather [hbm4b:s2+s3], $0x80, v3, vm0, $0xb8;
	[tilespmem:$0x18200] =	vst v63  }
0x45: {  	s19 =	simm.s32 $0x6A00  }
0x46: {  	[tilespmem:s19], [sflag:$0x1] =	stream.indirect_vreg.gather [hbm4b:s5+s3], $0x80, v3, vm0, $0xb8;
	[tilespmem:$0x18200] =	vst v63  }
0x47: {  	s20 =	simm.s32 $0x7200  }
0x48: {  	[tilespmem:s20], [sflag:$0x1] =	stream.indirect_vreg.gather [hbm4b:s6+s3], $0x80, v3, vm0, $0xb8;
	[tilespmem:$0x18200] =	vst v63  }
0x49: {  	s24 =	simm.s32 $0x7A00  }
0x4a: {  	[tilespmem:s24], [sflag:$0x1] =	stream.indirect_vreg.gather [hbm4b:s7+s3], $0x80, v3, vm0, $0xb8;
	[tilespmem:$0x18200] =	vst v63  }
0x4b: {  	_ =	swait.ge [sflag:s26], $0x1E0  }
0x4c: {  	[sflag:s26] =	ssyncset.done $0x0  }
0x4d: {  	[sflag:s26] =	ssyncadd.s32 $0xFFFFFE20  }
0x4e: {  	v3 =	vld [tilespmem:$0x20];
	_ =	sdelay $0x4  }
0x4f: {  	v34 =	vshll.u32 v3, $0x3  }
0x50: {  	v3 =	vand.u32 $0x7, v3;
	v4 =	vand.u32 $0xFFFFFFC0, v34  }
0x51: {  	v3 =	vor.u32 v3, v4  }
0x52: {  	v4 =	vperm.xlane v3, v0;
	_ =	sdelay $0x1  }
0x53: {  	v4 =	vadd.s32 v1, v4;
	_ =	sdelay $0x4  }
0x54: {  	[tilespmem:s30], [sflag:$0x2] =	stream.indirect_vreg.gather [hbm4b:s2+s3], $0x80, v4, vm0, $0xb8;
	[tilespmem:$0x18200] =	vst v63  }
0x55: {  	s0 =	simm.s32 $0x8A00;
	v3 =	vperm.xlane v3, v2  }
0x56: {  	[tilespmem:s0], [sflag:$0x2] =	stream.indirect_vreg.gather [hbm4b:s5+s3], $0x80, v4, vm0, $0xb8;
	[tilespmem:$0x18200] =	vst v63  }
0x57: {  	v3 =	vadd.s32 v1, v3;
	s0 =	simm.s32 $0x9200  }
0x58: {  	[tilespmem:s0], [sflag:$0x2] =	stream.indirect_vreg.gather [hbm4b:s6+s3], $0x80, v4, vm0, $0xb8;
	[tilespmem:$0x18200] =	vst v63  }
0x59: {  	s0 =	simm.s32 $0x9A00  }
0x5a: {  	[tilespmem:s0], [sflag:$0x2] =	stream.indirect_vreg.gather [hbm4b:s7+s3], $0x80, v4, vm0, $0xb8;
	[tilespmem:$0x18200] =	vst v63  }
0x5b: {  	s0 =	simm.s32 $0xA200  }
0x5c: {  	[tilespmem:s0], [sflag:$0x2] =	stream.indirect_vreg.gather [hbm4b:s2+s3], $0x80, v3, vm0, $0xb8;
	[tilespmem:$0x18200] =	vst v63  }
0x5d: {  	s0 =	simm.s32 $0xAA00  }
0x5e: {  	[tilespmem:s0], [sflag:$0x2] =	stream.indirect_vreg.gather [hbm4b:s5+s3], $0x80, v3, vm0, $0xb8;
	[tilespmem:$0x18200] =	vst v63  }
0x5f: {  	s0 =	simm.s32 $0xB200  }
0x60: {  	[tilespmem:s0], [sflag:$0x2] =	stream.indirect_vreg.gather [hbm4b:s6+s3], $0x80, v3, vm0, $0xb8;
	[tilespmem:$0x18200] =	vst v63  }
0x61: {  	s0 =	simm.s32 $0xBA00  }
0x62: {  	[tilespmem:s0], [sflag:$0x2] =	stream.indirect_vreg.gather [hbm4b:s7+s3], $0x80, v3, vm0, $0xb8;
	[tilespmem:$0x18200] =	vst v63  }
0x63: {  	v3 =	vld [tilespmem:$0x30];
	_ =	sdelay $0x4  }
0x64: {  	v35 =	vshll.u32 v3, $0x3  }
0x65: {  	v3 =	vand.u32 $0x7, v3;
	v4 =	vand.u32 $0xFFFFFFC0, v35  }
0x66: {  	v3 =	vor.u32 v3, v4  }
0x67: {  	v4 =	vperm.xlane v3, v0;
	_ =	sdelay $0x1  }
0x68: {  	v4 =	vadd.s32 v1, v4;
	_ =	sdelay $0x3  }
0x69: {  	s0 =	simm.s32 $0xC200  }
0x6a: {  	[tilespmem:s0], [sflag:$0x2] =	stream.indirect_vreg.gather [hbm4b:s2+s3], $0x80, v4, vm0, $0xb8;
	[tilespmem:$0x18200] =	vst v63  }
0x6b: {  	v3 =	vperm.xlane v3, v2;
	s0 =	simm.s32 $0xCA00  }
0x6c: {  	[tilespmem:s0], [sflag:$0x2] =	stream.indirect_vreg.gather [hbm4b:s5+s3], $0x80, v4, vm0, $0xb8;
	[tilespmem:$0x18200] =	vst v63  }
0x6d: {  	v3 =	vadd.s32 v1, v3;
	s0 =	simm.s32 $0xD200  }
0x6e: {  	[tilespmem:s0], [sflag:$0x2] =	stream.indirect_vreg.gather [hbm4b:s6+s3], $0x80, v4, vm0, $0xb8;
	[tilespmem:$0x18200] =	vst v63  }
0x6f: {  	s0 =	simm.s32 $0xDA00  }
0x70: {  	[tilespmem:s0], [sflag:$0x2] =	stream.indirect_vreg.gather [hbm4b:s7+s3], $0x80, v4, vm0, $0xb8;
	[tilespmem:$0x18200] =	vst v63  }
0x71: {  	s0 =	simm.s32 $0xE200  }
0x72: {  	[tilespmem:s0], [sflag:$0x2] =	stream.indirect_vreg.gather [hbm4b:s2+s3], $0x80, v3, vm0, $0xb8;
	[tilespmem:$0x18200] =	vst v63  }
0x73: {  	s0 =	simm.s32 $0xEA00  }
0x74: {  	[tilespmem:s0], [sflag:$0x2] =	stream.indirect_vreg.gather [hbm4b:s5+s3], $0x80, v3, vm0, $0xb8;
	[tilespmem:$0x18200] =	vst v63  }
0x75: {  	s0 =	simm.s32 $0xF200  }
0x76: {  	[tilespmem:s0], [sflag:$0x2] =	stream.indirect_vreg.gather [hbm4b:s6+s3], $0x80, v3, vm0, $0xb8;
	[tilespmem:$0x18200] =	vst v63  }
0x77: {  	s0 =	simm.s32 $0xFA00  }
0x78: {  	[tilespmem:s0], [sflag:$0x2] =	stream.indirect_vreg.gather [hbm4b:s7+s3], $0x80, v3, vm0, $0xb8;
	[tilespmem:$0x18200] =	vst v63  }
0x79: {  	v3 =	vld [tilespmem:$0x40];
	_ =	sdelay $0x4  }
0x7a: {  	v36 =	vshll.u32 v3, $0x3  }
0x7b: {  	v3 =	vand.u32 $0x7, v3;
	v4 =	vand.u32 $0xFFFFFFC0, v36  }
0x7c: {  	v3 =	vor.u32 v3, v4  }
0x7d: {  	v4 =	vperm.xlane v3, v0;
	_ =	sdelay $0x1  }
0x7e: {  	v4 =	vadd.s32 v1, v4;
	_ =	sdelay $0x4  }
0x7f: {  	[tilespmem:s10], [sflag:$0x3] =	stream.indirect_vreg.gather [hbm4b:s2+s3], $0x80, v4, vm0, $0xb8;
	[tilespmem:$0x18200] =	vst v63  }
0x80: {  	s0 =	simm.s32 $0x10A00;
	v3 =	vperm.xlane v3, v2  }
0x81: {  	[tilespmem:s0], [sflag:$0x3] =	stream.indirect_vreg.gather [hbm4b:s5+s3], $0x80, v4, vm0, $0xb8;
	[tilespmem:$0x18200] =	vst v63  }
0x82: {  	v3 =	vadd.s32 v1, v3;
	s0 =	simm.s32 $0x11200  }
0x83: {  	[tilespmem:s0], [sflag:$0x3] =	stream.indirect_vreg.gather [hbm4b:s6+s3], $0x80, v4, vm0, $0xb8;
	[tilespmem:$0x18200] =	vst v63  }
0x84: {  	s0 =	simm.s32 $0x11A00  }
0x85: {  	[tilespmem:s0], [sflag:$0x3] =	stream.indirect_vreg.gather [hbm4b:s7+s3], $0x80, v4, vm0, $0xb8;
	[tilespmem:$0x18200] =	vst v63  }
0x86: {  	s0 =	simm.s32 $0x12200  }
0x87: {  	[tilespmem:s0], [sflag:$0x3] =	stream.indirect_vreg.gather [hbm4b:s2+s3], $0x80, v3, vm0, $0xb8;
	[tilespmem:$0x18200] =	vst v63  }
0x88: {  	s0 =	simm.s32 $0x12A00  }
0x89: {  	[tilespmem:s0], [sflag:$0x3] =	stream.indirect_vreg.gather [hbm4b:s5+s3], $0x80, v3, vm0, $0xb8;
	[tilespmem:$0x18200] =	vst v63  }
0x8a: {  	s0 =	simm.s32 $0x13200  }
0x8b: {  	[tilespmem:s0], [sflag:$0x3] =	stream.indirect_vreg.gather [hbm4b:s6+s3], $0x80, v3, vm0, $0xb8;
	[tilespmem:$0x18200] =	vst v63  }
0x8c: {  	s0 =	simm.s32 $0x13A00  }
0x8d: {  	[tilespmem:s0], [sflag:$0x3] =	stream.indirect_vreg.gather [hbm4b:s7+s3], $0x80, v3, vm0, $0xb8;
	[tilespmem:$0x18200] =	vst v63  }
0x8e: {  	v3 =	vld [tilespmem:$0x50];
	_ =	sdelay $0x4  }
0x8f: {  	v37 =	vshll.u32 v3, $0x3  }
0x90: {  	v3 =	vand.u32 $0x7, v3;
	v4 =	vand.u32 $0xFFFFFFC0, v37  }
0x91: {  	v3 =	vor.u32 v3, v4  }
0x92: {  	v4 =	vperm.xlane v3, v0;
	_ =	sdelay $0x1  }
0x93: {  	v4 =	vadd.s32 v1, v4;
	_ =	sdelay $0x3  }
0x94: {  	s0 =	simm.s32 $0x14200  }
0x95: {  	[tilespmem:s0], [sflag:$0x3] =	stream.indirect_vreg.gather [hbm4b:s2+s3], $0x80, v4, vm0, $0xb8;
	[tilespmem:$0x18200] =	vst v63  }
0x96: {  	v3 =	vperm.xlane v3, v2;
	s0 =	simm.s32 $0x14A00  }
0x97: {  	[tilespmem:s0], [sflag:$0x3] =	stream.indirect_vreg.gather [hbm4b:s5+s3], $0x80, v4, vm0, $0xb8;
	[tilespmem:$0x18200] =	vst v63  }
0x98: {  	v3 =	vadd.s32 v1, v3;
	s0 =	simm.s32 $0x15200  }
0x99: {  	[tilespmem:s0], [sflag:$0x3] =	stream.indirect_vreg.gather [hbm4b:s6+s3], $0x80, v4, vm0, $0xb8;
	[tilespmem:$0x18200] =	vst v63  }
0x9a: {  	s0 =	simm.s32 $0x15A00  }
0x9b: {  	[tilespmem:s0], [sflag:$0x3] =	stream.indirect_vreg.gather [hbm4b:s7+s3], $0x80, v4, vm0, $0xb8;
	[tilespmem:$0x18200] =	vst v63  }
0x9c: {  	s0 =	simm.s32 $0x16200  }
0x9d: {  	[tilespmem:s0], [sflag:$0x3] =	stream.indirect_vreg.gather [hbm4b:s2+s3], $0x80, v3, vm0, $0xb8;
	[tilespmem:$0x18200] =	vst v63  }
0x9e: {  	s0 =	simm.s32 $0x16A00  }
0x9f: {  	[tilespmem:s0], [sflag:$0x3] =	stream.indirect_vreg.gather [hbm4b:s5+s3], $0x80, v3, vm0, $0xb8;
	[tilespmem:$0x18200] =	vst v63  }
0xa0: {  	s0 =	simm.s32 $0x17200  }
0xa1: {  	[tilespmem:s0], [sflag:$0x3] =	stream.indirect_vreg.gather [hbm4b:s6+s3], $0x80, v3, vm0, $0xb8;
	[tilespmem:$0x18200] =	vst v63  }
0xa2: {  	s0 =	simm.s32 $0x17A00  }
0xa3: {  	[tilespmem:s0], [sflag:$0x3] =	stream.indirect_vreg.gather [hbm4b:s7+s3], $0x80, v3, vm0, $0xb8;
	[tilespmem:$0x18200] =	vst v63  }
0xa4: {  	_ =	swait.ge [sflag:s4], $0x8000  }
0xa5: {  	[sflag:s4] =	ssyncset.done $0x0  }
0xa6: {  	s0 =	rddreg [dreg:$0x16];
	[sflag:s4] =	ssyncadd.s32 $0xFFFF8000  }
0xa7: {  	[hbm4b:s0+s3] =	stream.linear.scatter [tilespmem:s25], [sflag:$0x4], $0x8000, $0x38;
	[tilespmem:$0x18200] =	vst v63  }
0xa8: {  	_ =	swait.ge [sflag:s26], $0x8000  }
0xa9: {  	[sflag:s26] =	ssyncset.done $0x0  }
0xaa: {  	[sflag:s26] =	ssyncadd.s32 $0xFFFF8000  }
0xab: {  	v3 =	vld [tilespmem:$0x60];
	_ =	sdelay $0x4  }
0xac: {  	v38 =	vshll.u32 v3, $0x3  }
0xad: {  	v3 =	vand.u32 $0x7, v3;
	v4 =	vand.u32 $0xFFFFFFC0, v38  }
0xae: {  	v3 =	vor.u32 v3, v4  }
0xaf: {  	v4 =	vperm.xlane v3, v0;
	_ =	sdelay $0x1  }
0xb0: {  	v4 =	vadd.s32 v1, v4;
	_ =	sdelay $0x4  }
0xb1: {  	[tilespmem:s25], [sflag:$0x1] =	stream.indirect_vreg.gather [hbm4b:s2+s3], $0x80, v4, vm0, $0xb8;
	[tilespmem:$0x18200] =	vst v63  }
0xb2: {  	s28 =	simm.s32 $0xA00;
	v3 =	vperm.xlane v3, v2  }
0xb3: {  	[tilespmem:s28], [sflag:$0x1] =	stream.indirect_vreg.gather [hbm4b:s5+s3], $0x80, v4, vm0, $0xb8;
	[tilespmem:$0x18200] =	vst v63  }
0xb4: {  	s11 =	simm.s32 $0x1200;
	v3 =	vadd.s32 v1, v3  }
0xb5: {  	[tilespmem:s11], [sflag:$0x1] =	stream.indirect_vreg.gather [hbm4b:s6+s3], $0x80, v4, vm0, $0xb8;
	[tilespmem:$0x18200] =	vst v63  }
0xb6: {  	s12 =	simm.s32 $0x1A00  }
0xb7: {  	[tilespmem:s12], [sflag:$0x1] =	stream.indirect_vreg.gather [hbm4b:s7+s3], $0x80, v4, vm0, $0xb8;
	[tilespmem:$0x18200] =	vst v63  }
0xb8: {  	s13 =	simm.s32 $0x2200  }
0xb9: {  	[tilespmem:s13], [sflag:$0x1] =	stream.indirect_vreg.gather [hbm4b:s2+s3], $0x80, v3, vm0, $0xb8;
	[tilespmem:$0x18200] =	vst v63  }
0xba: {  	s14 =	simm.s32 $0x2A00  }
0xbb: {  	[tilespmem:s14], [sflag:$0x1] =	stream.indirect_vreg.gather [hbm4b:s5+s3], $0x80, v3, vm0, $0xb8;
	[tilespmem:$0x18200] =	vst v63  }
0xbc: {  	s15 =	simm.s32 $0x3200  }
0xbd: {  	[tilespmem:s15], [sflag:$0x1] =	stream.indirect_vreg.gather [hbm4b:s6+s3], $0x80, v3, vm0, $0xb8;
	[tilespmem:$0x18200] =	vst v63  }
0xbe: {  	s21 =	simm.s32 $0x3A00  }
0xbf: {  	[tilespmem:s21], [sflag:$0x1] =	stream.indirect_vreg.gather [hbm4b:s7+s3], $0x80, v3, vm0, $0xb8;
	[tilespmem:$0x18200] =	vst v63  }
0xc0: {  	v3 =	vld [tilespmem:$0x70];
	_ =	sdelay $0x4  }
0xc1: {  	v39 =	vshll.u32 v3, $0x3  }
0xc2: {  	v3 =	vand.u32 $0x7, v3;
	v4 =	vand.u32 $0xFFFFFFC0, v39  }
0xc3: {  	v3 =	vor.u32 v3, v4  }
0xc4: {  	v4 =	vperm.xlane v3, v0;
	_ =	sdelay $0x1  }
0xc5: {  	v4 =	vadd.s32 v1, v4;
	_ =	sdelay $0x3  }
0xc6: {  	s22 =	simm.s32 $0x4200  }
0xc7: {  	[tilespmem:s22], [sflag:$0x1] =	stream.indirect_vreg.gather [hbm4b:s2+s3], $0x80, v4, vm0, $0xb8;
	[tilespmem:$0x18200] =	vst v63  }
0xc8: {  	s23 =	simm.s32 $0x4A00;
	v3 =	vperm.xlane v3, v2  }
0xc9: {  	[tilespmem:s23], [sflag:$0x1] =	stream.indirect_vreg.gather [hbm4b:s5+s3], $0x80, v4, vm0, $0xb8;
	[tilespmem:$0x18200] =	vst v63  }
0xca: {  	s16 =	simm.s32 $0x5200;
	v3 =	vadd.s32 v1, v3  }
0xcb: {  	[tilespmem:s16], [sflag:$0x1] =	stream.indirect_vreg.gather [hbm4b:s6+s3], $0x80, v4, vm0, $0xb8;
	[tilespmem:$0x18200] =	vst v63  }
0xcc: {  	s17 =	simm.s32 $0x5A00  }
0xcd: {  	[tilespmem:s17], [sflag:$0x1] =	stream.indirect_vreg.gather [hbm4b:s7+s3], $0x80, v4, vm0, $0xb8;
	[tilespmem:$0x18200] =	vst v63  }
0xce: {  	s18 =	simm.s32 $0x6200  }
0xcf: {  	[tilespmem:s18], [sflag:$0x1] =	stream.indirect_vreg.gather [hbm4b:s2+s3], $0x80, v3, vm0, $0xb8;
	[tilespmem:$0x18200] =	vst v63  }
0xd0: {  	s19 =	simm.s32 $0x6A00  }
0xd1: {  	[tilespmem:s19], [sflag:$0x1] =	stream.indirect_vreg.gather [hbm4b:s5+s3], $0x80, v3, vm0, $0xb8;
	[tilespmem:$0x18200] =	vst v63  }
0xd2: {  	s20 =	simm.s32 $0x7200  }
0xd3: {  	[tilespmem:s20], [sflag:$0x1] =	stream.indirect_vreg.gather [hbm4b:s6+s3], $0x80, v3, vm0, $0xb8;
	[tilespmem:$0x18200] =	vst v63  }
0xd4: {  	s24 =	simm.s32 $0x7A00  }
0xd5: {  	[tilespmem:s24], [sflag:$0x1] =	stream.indirect_vreg.gather [hbm4b:s7+s3], $0x80, v3, vm0, $0xb8;
	[tilespmem:$0x18200] =	vst v63  }
0xd6: {  	_ =	swait.ge [sflag:s9], $0x8000  }
0xd7: {  	[sflag:s9] =	ssyncset.done $0x0  }
0xd8: {  	s0 =	rddreg [dreg:$0x6];
	[sflag:s9] =	ssyncadd.s32 $0xFFFF8000  }
0xd9: {  	[hbm4b:s0+s3] =	stream.linear.scatter [tilespmem:s30], [sflag:$0x5], $0x8000, $0x38;
	[tilespmem:$0x18200] =	vst v63  }
0xda: {  	_ =	swait.ge [sflag:s29], $0x8000  }
0xdb: {  	[sflag:s29] =	ssyncset.done $0x0  }
0xdc: {  	[sflag:s29] =	ssyncadd.s32 $0xFFFF8000  }
0xdd: {  	v3 =	vld [tilespmem:$0x80];
	_ =	sdelay $0x4  }
0xde: {  	v40 =	vshll.u32 v3, $0x3  }
0xdf: {  	v3 =	vand.u32 $0x7, v3;
	v4 =	vand.u32 $0xFFFFFFC0, v40  }
0xe0: {  	v3 =	vor.u32 v3, v4  }
0xe1: {  	v4 =	vperm.xlane v3, v0;
	_ =	sdelay $0x1  }
0xe2: {  	v4 =	vadd.s32 v1, v4;
	_ =	sdelay $0x4  }
0xe3: {  	[tilespmem:s30], [sflag:$0x2] =	stream.indirect_vreg.gather [hbm4b:s2+s3], $0x80, v4, vm0, $0xb8;
	[tilespmem:$0x18200] =	vst v63  }
0xe4: {  	s0 =	simm.s32 $0x8A00;
	v3 =	vperm.xlane v3, v2  }
0xe5: {  	[tilespmem:s0], [sflag:$0x2] =	stream.indirect_vreg.gather [hbm4b:s5+s3], $0x80, v4, vm0, $0xb8;
	[tilespmem:$0x18200] =	vst v63  }
0xe6: {  	v3 =	vadd.s32 v1, v3;
	s0 =	simm.s32 $0x9200  }
0xe7: {  	[tilespmem:s0], [sflag:$0x2] =	stream.indirect_vreg.gather [hbm4b:s6+s3], $0x80, v4, vm0, $0xb8;
	[tilespmem:$0x18200] =	vst v63  }
0xe8: {  	s0 =	simm.s32 $0x9A00  }
0xe9: {  	[tilespmem:s0], [sflag:$0x2] =	stream.indirect_vreg.gather [hbm4b:s7+s3], $0x80, v4, vm0, $0xb8;
	[tilespmem:$0x18200] =	vst v63  }
0xea: {  	s0 =	simm.s32 $0xA200  }
0xeb: {  	[tilespmem:s0], [sflag:$0x2] =	stream.indirect_vreg.gather [hbm4b:s2+s3], $0x80, v3, vm0, $0xb8;
	[tilespmem:$0x18200] =	vst v63  }
0xec: {  	s0 =	simm.s32 $0xAA00  }
0xed: {  	[tilespmem:s0], [sflag:$0x2] =	stream.indirect_vreg.gather [hbm4b:s5+s3], $0x80, v3, vm0, $0xb8;
	[tilespmem:$0x18200] =	vst v63  }
0xee: {  	s0 =	simm.s32 $0xB200  }
0xef: {  	[tilespmem:s0], [sflag:$0x2] =	stream.indirect_vreg.gather [hbm4b:s6+s3], $0x80, v3, vm0, $0xb8;
	[tilespmem:$0x18200] =	vst v63  }
0xf0: {  	s0 =	simm.s32 $0xBA00  }
0xf1: {  	[tilespmem:s0], [sflag:$0x2] =	stream.indirect_vreg.gather [hbm4b:s7+s3], $0x80, v3, vm0, $0xb8;
	[tilespmem:$0x18200] =	vst v63  }
0xf2: {  	v3 =	vld [tilespmem:$0x90];
	_ =	sdelay $0x4  }
0xf3: {  	v41 =	vshll.u32 v3, $0x3  }
0xf4: {  	v3 =	vand.u32 $0x7, v3;
	v4 =	vand.u32 $0xFFFFFFC0, v41  }
0xf5: {  	v3 =	vor.u32 v3, v4  }
0xf6: {  	v4 =	vperm.xlane v3, v0;
	_ =	sdelay $0x1  }
0xf7: {  	v4 =	vadd.s32 v1, v4;
	_ =	sdelay $0x3  }
0xf8: {  	s0 =	simm.s32 $0xC200  }
0xf9: {  	[tilespmem:s0], [sflag:$0x2] =	stream.indirect_vreg.gather [hbm4b:s2+s3], $0x80, v4, vm0, $0xb8;
	[tilespmem:$0x18200] =	vst v63  }
0xfa: {  	v3 =	vperm.xlane v3, v2;
	s0 =	simm.s32 $0xCA00  }
0xfb: {  	[tilespmem:s0], [sflag:$0x2] =	stream.indirect_vreg.gather [hbm4b:s5+s3], $0x80, v4, vm0, $0xb8;
	[tilespmem:$0x18200] =	vst v63  }
0xfc: {  	v3 =	vadd.s32 v1, v3;
	s0 =	simm.s32 $0xD200  }
0xfd: {  	[tilespmem:s0], [sflag:$0x2] =	stream.indirect_vreg.gather [hbm4b:s6+s3], $0x80, v4, vm0, $0xb8;
	[tilespmem:$0x18200] =	vst v63  }
0xfe: {  	s0 =	simm.s32 $0xDA00  }
0xff: {  	[tilespmem:s0], [sflag:$0x2] =	stream.indirect_vreg.gather [hbm4b:s7+s3], $0x80, v4, vm0, $0xb8;
	[tilespmem:$0x18200] =	vst v63  }
0x100: {  	s0 =	simm.s32 $0xE200  }
0x101: {  	[tilespmem:s0], [sflag:$0x2] =	stream.indirect_vreg.gather [hbm4b:s2+s3], $0x80, v3, vm0, $0xb8;
	[tilespmem:$0x18200] =	vst v63  }
0x102: {  	s0 =	simm.s32 $0xEA00  }
0x103: {  	[tilespmem:s0], [sflag:$0x2] =	stream.indirect_vreg.gather [hbm4b:s5+s3], $0x80, v3, vm0, $0xb8;
	[tilespmem:$0x18200] =	vst v63  }
0x104: {  	s0 =	simm.s32 $0xF200  }
0x105: {  	[tilespmem:s0], [sflag:$0x2] =	stream.indirect_vreg.gather [hbm4b:s6+s3], $0x80, v3, vm0, $0xb8;
	[tilespmem:$0x18200] =	vst v63  }
0x106: {  	s0 =	simm.s32 $0xFA00  }
0x107: {  	[tilespmem:s0], [sflag:$0x2] =	stream.indirect_vreg.gather [hbm4b:s7+s3], $0x80, v3, vm0, $0xb8;
	[tilespmem:$0x18200] =	vst v63  }
0x108: {  	_ =	swait.ge [sflag:s31], $0x8000  }
0x109: {  	[sflag:s31] =	ssyncset.done $0x0  }
0x10a: {  	s0 =	rddreg [dreg:$0x7];
	[sflag:s31] =	ssyncadd.s32 $0xFFFF8000  }
0x10b: {  	[hbm4b:s0+s3] =	stream.linear.scatter [tilespmem:s10], [sflag:$0x6], $0x8000, $0x38;
	[tilespmem:$0x18200] =	vst v63  }
0x10c: {  	_ =	swait.ge [sflag:s1], $0x8000  }
0x10d: {  	[sflag:s1] =	ssyncset.done $0x0  }
0x10e: {  	[sflag:s1] =	ssyncadd.s32 $0xFFFF8000  }
0x10f: {  	v3 =	vld [tilespmem:$0xA0];
	_ =	sdelay $0x4  }
0x110: {  	v42 =	vshll.u32 v3, $0x3  }
0x111: {  	v3 =	vand.u32 $0x7, v3;
	v4 =	vand.u32 $0xFFFFFFC0, v42  }
0x112: {  	v3 =	vor.u32 v3, v4  }
0x113: {  	v4 =	vperm.xlane v3, v0;
	_ =	sdelay $0x1  }
0x114: {  	v4 =	vadd.s32 v1, v4;
	_ =	sdelay $0x4  }
0x115: {  	[tilespmem:s10], [sflag:$0x3] =	stream.indirect_vreg.gather [hbm4b:s2+s3], $0x80, v4, vm0, $0xb8;
	[tilespmem:$0x18200] =	vst v63  }
0x116: {  	s0 =	simm.s32 $0x10A00;
	v3 =	vperm.xlane v3, v2  }
0x117: {  	[tilespmem:s0], [sflag:$0x3] =	stream.indirect_vreg.gather [hbm4b:s5+s3], $0x80, v4, vm0, $0xb8;
	[tilespmem:$0x18200] =	vst v63  }
0x118: {  	v3 =	vadd.s32 v1, v3;
	s0 =	simm.s32 $0x11200  }
0x119: {  	[tilespmem:s0], [sflag:$0x3] =	stream.indirect_vreg.gather [hbm4b:s6+s3], $0x80, v4, vm0, $0xb8;
	[tilespmem:$0x18200] =	vst v63  }
0x11a: {  	s0 =	simm.s32 $0x11A00  }
0x11b: {  	[tilespmem:s0], [sflag:$0x3] =	stream.indirect_vreg.gather [hbm4b:s7+s3], $0x80, v4, vm0, $0xb8;
	[tilespmem:$0x18200] =	vst v63  }
0x11c: {  	s0 =	simm.s32 $0x12200  }
0x11d: {  	[tilespmem:s0], [sflag:$0x3] =	stream.indirect_vreg.gather [hbm4b:s2+s3], $0x80, v3, vm0, $0xb8;
	[tilespmem:$0x18200] =	vst v63  }
0x11e: {  	s0 =	simm.s32 $0x12A00  }
0x11f: {  	[tilespmem:s0], [sflag:$0x3] =	stream.indirect_vreg.gather [hbm4b:s5+s3], $0x80, v3, vm0, $0xb8;
	[tilespmem:$0x18200] =	vst v63  }
0x120: {  	s0 =	simm.s32 $0x13200  }
0x121: {  	[tilespmem:s0], [sflag:$0x3] =	stream.indirect_vreg.gather [hbm4b:s6+s3], $0x80, v3, vm0, $0xb8;
	[tilespmem:$0x18200] =	vst v63  }
0x122: {  	s0 =	simm.s32 $0x13A00  }
0x123: {  	[tilespmem:s0], [sflag:$0x3] =	stream.indirect_vreg.gather [hbm4b:s7+s3], $0x80, v3, vm0, $0xb8;
	[tilespmem:$0x18200] =	vst v63  }
0x124: {  	v3 =	vld [tilespmem:$0xB0];
	_ =	sdelay $0x4  }
0x125: {  	v43 =	vshll.u32 v3, $0x3  }
0x126: {  	v3 =	vand.u32 $0x7, v3;
	v4 =	vand.u32 $0xFFFFFFC0, v43  }
0x127: {  	v3 =	vor.u32 v3, v4  }
0x128: {  	v4 =	vperm.xlane v3, v0;
	_ =	sdelay $0x1  }
0x129: {  	v4 =	vadd.s32 v1, v4;
	_ =	sdelay $0x3  }
0x12a: {  	s0 =	simm.s32 $0x14200  }
0x12b: {  	[tilespmem:s0], [sflag:$0x3] =	stream.indirect_vreg.gather [hbm4b:s2+s3], $0x80, v4, vm0, $0xb8;
	[tilespmem:$0x18200] =	vst v63  }
0x12c: {  	v3 =	vperm.xlane v3, v2;
	s0 =	simm.s32 $0x14A00  }
0x12d: {  	[tilespmem:s0], [sflag:$0x3] =	stream.indirect_vreg.gather [hbm4b:s5+s3], $0x80, v4, vm0, $0xb8;
	[tilespmem:$0x18200] =	vst v63  }
0x12e: {  	v3 =	vadd.s32 v1, v3;
	s0 =	simm.s32 $0x15200  }
0x12f: {  	[tilespmem:s0], [sflag:$0x3] =	stream.indirect_vreg.gather [hbm4b:s6+s3], $0x80, v4, vm0, $0xb8;
	[tilespmem:$0x18200] =	vst v63  }
0x130: {  	s0 =	simm.s32 $0x15A00  }
0x131: {  	[tilespmem:s0], [sflag:$0x3] =	stream.indirect_vreg.gather [hbm4b:s7+s3], $0x80, v4, vm0, $0xb8;
	[tilespmem:$0x18200] =	vst v63  }
0x132: {  	s0 =	simm.s32 $0x16200  }
0x133: {  	[tilespmem:s0], [sflag:$0x3] =	stream.indirect_vreg.gather [hbm4b:s2+s3], $0x80, v3, vm0, $0xb8;
	[tilespmem:$0x18200] =	vst v63  }
0x134: {  	s0 =	simm.s32 $0x16A00  }
0x135: {  	[tilespmem:s0], [sflag:$0x3] =	stream.indirect_vreg.gather [hbm4b:s5+s3], $0x80, v3, vm0, $0xb8;
	[tilespmem:$0x18200] =	vst v63  }
0x136: {  	s0 =	simm.s32 $0x17200  }
0x137: {  	[tilespmem:s0], [sflag:$0x3] =	stream.indirect_vreg.gather [hbm4b:s6+s3], $0x80, v3, vm0, $0xb8;
	[tilespmem:$0x18200] =	vst v63  }
0x138: {  	s0 =	simm.s32 $0x17A00  }
0x139: {  	[tilespmem:s0], [sflag:$0x3] =	stream.indirect_vreg.gather [hbm4b:s7+s3], $0x80, v3, vm0, $0xb8;
	[tilespmem:$0x18200] =	vst v63  }
0x13a: {  	_ =	swait.ge [sflag:s4], $0x8000  }
0x13b: {  	[sflag:s4] =	ssyncset.done $0x0  }
0x13c: {  	s0 =	rddreg [dreg:$0x8];
	[sflag:s4] =	ssyncadd.s32 $0xFFFF8000  }
0x13d: {  	[hbm4b:s0+s3] =	stream.linear.scatter [tilespmem:s25], [sflag:$0x4], $0x8000, $0x38;
	[tilespmem:$0x18200] =	vst v63  }
0x13e: {  	_ =	swait.ge [sflag:s26], $0x8000  }
0x13f: {  	[sflag:s26] =	ssyncset.done $0x0  }
0x140: {  	[sflag:s26] =	ssyncadd.s32 $0xFFFF8000  }
0x141: {  	v3 =	vld [tilespmem:$0xC0];
	_ =	sdelay $0x4  }
0x142: {  	v44 =	vshll.u32 v3, $0x3  }
0x143: {  	v3 =	vand.u32 $0x7, v3;
	v4 =	vand.u32 $0xFFFFFFC0, v44  }
0x144: {  	v3 =	vor.u32 v3, v4  }
0x145: {  	v4 =	vperm.xlane v3, v0;
	_ =	sdelay $0x1  }
0x146: {  	v4 =	vadd.s32 v1, v4;
	_ =	sdelay $0x4  }
0x147: {  	[tilespmem:s25], [sflag:$0x1] =	stream.indirect_vreg.gather [hbm4b:s2+s3], $0x80, v4, vm0, $0xb8;
	[tilespmem:$0x18200] =	vst v63  }
0x148: {  	s28 =	simm.s32 $0xA00;
	v3 =	vperm.xlane v3, v2  }
0x149: {  	[tilespmem:s28], [sflag:$0x1] =	stream.indirect_vreg.gather [hbm4b:s5+s3], $0x80, v4, vm0, $0xb8;
	[tilespmem:$0x18200] =	vst v63  }
0x14a: {  	s11 =	simm.s32 $0x1200;
	v3 =	vadd.s32 v1, v3  }
0x14b: {  	[tilespmem:s11], [sflag:$0x1] =	stream.indirect_vreg.gather [hbm4b:s6+s3], $0x80, v4, vm0, $0xb8;
	[tilespmem:$0x18200] =	vst v63  }
0x14c: {  	s12 =	simm.s32 $0x1A00  }
0x14d: {  	[tilespmem:s12], [sflag:$0x1] =	stream.indirect_vreg.gather [hbm4b:s7+s3], $0x80, v4, vm0, $0xb8;
	[tilespmem:$0x18200] =	vst v63  }
0x14e: {  	s13 =	simm.s32 $0x2200  }
0x14f: {  	[tilespmem:s13], [sflag:$0x1] =	stream.indirect_vreg.gather [hbm4b:s2+s3], $0x80, v3, vm0, $0xb8;
	[tilespmem:$0x18200] =	vst v63  }
0x150: {  	s14 =	simm.s32 $0x2A00  }
0x151: {  	[tilespmem:s14], [sflag:$0x1] =	stream.indirect_vreg.gather [hbm4b:s5+s3], $0x80, v3, vm0, $0xb8;
	[tilespmem:$0x18200] =	vst v63  }
0x152: {  	s15 =	simm.s32 $0x3200  }
0x153: {  	[tilespmem:s15], [sflag:$0x1] =	stream.indirect_vreg.gather [hbm4b:s6+s3], $0x80, v3, vm0, $0xb8;
	[tilespmem:$0x18200] =	vst v63  }
0x154: {  	s21 =	simm.s32 $0x3A00  }
0x155: {  	[tilespmem:s21], [sflag:$0x1] =	stream.indirect_vreg.gather [hbm4b:s7+s3], $0x80, v3, vm0, $0xb8;
	[tilespmem:$0x18200] =	vst v63  }
0x156: {  	v3 =	vld [tilespmem:$0xD0];
	_ =	sdelay $0x4  }
0x157: {  	v45 =	vshll.u32 v3, $0x3  }
0x158: {  	v3 =	vand.u32 $0x7, v3;
	v4 =	vand.u32 $0xFFFFFFC0, v45  }
0x159: {  	v3 =	vor.u32 v3, v4  }
0x15a: {  	v4 =	vperm.xlane v3, v0;
	_ =	sdelay $0x1  }
0x15b: {  	v4 =	vadd.s32 v1, v4;
	_ =	sdelay $0x3  }
0x15c: {  	s22 =	simm.s32 $0x4200  }
0x15d: {  	[tilespmem:s22], [sflag:$0x1] =	stream.indirect_vreg.gather [hbm4b:s2+s3], $0x80, v4, vm0, $0xb8;
	[tilespmem:$0x18200] =	vst v63  }
0x15e: {  	s23 =	simm.s32 $0x4A00;
	v3 =	vperm.xlane v3, v2  }
0x15f: {  	[tilespmem:s23], [sflag:$0x1] =	stream.indirect_vreg.gather [hbm4b:s5+s3], $0x80, v4, vm0, $0xb8;
	[tilespmem:$0x18200] =	vst v63  }
0x160: {  	s16 =	simm.s32 $0x5200;
	v3 =	vadd.s32 v1, v3  }
0x161: {  	[tilespmem:s16], [sflag:$0x1] =	stream.indirect_vreg.gather [hbm4b:s6+s3], $0x80, v4, vm0, $0xb8;
	[tilespmem:$0x18200] =	vst v63  }
0x162: {  	s17 =	simm.s32 $0x5A00  }
0x163: {  	[tilespmem:s17], [sflag:$0x1] =	stream.indirect_vreg.gather [hbm4b:s7+s3], $0x80, v4, vm0, $0xb8;
	[tilespmem:$0x18200] =	vst v63  }
0x164: {  	s18 =	simm.s32 $0x6200  }
0x165: {  	[tilespmem:s18], [sflag:$0x1] =	stream.indirect_vreg.gather [hbm4b:s2+s3], $0x80, v3, vm0, $0xb8;
	[tilespmem:$0x18200] =	vst v63  }
0x166: {  	s19 =	simm.s32 $0x6A00  }
0x167: {  	[tilespmem:s19], [sflag:$0x1] =	stream.indirect_vreg.gather [hbm4b:s5+s3], $0x80, v3, vm0, $0xb8;
	[tilespmem:$0x18200] =	vst v63  }
0x168: {  	s20 =	simm.s32 $0x7200  }
0x169: {  	[tilespmem:s20], [sflag:$0x1] =	stream.indirect_vreg.gather [hbm4b:s6+s3], $0x80, v3, vm0, $0xb8;
	[tilespmem:$0x18200] =	vst v63  }
0x16a: {  	s24 =	simm.s32 $0x7A00  }
0x16b: {  	[tilespmem:s24], [sflag:$0x1] =	stream.indirect_vreg.gather [hbm4b:s7+s3], $0x80, v3, vm0, $0xb8;
	[tilespmem:$0x18200] =	vst v63  }
0x16c: {  	_ =	swait.ge [sflag:s9], $0x8000  }
0x16d: {  	[sflag:s9] =	ssyncset.done $0x0  }
0x16e: {  	s0 =	rddreg [dreg:$0x9];
	[sflag:s9] =	ssyncadd.s32 $0xFFFF8000  }
0x16f: {  	[hbm4b:s0+s3] =	stream.linear.scatter [tilespmem:s30], [sflag:$0x5], $0x8000, $0x38;
	[tilespmem:$0x18200] =	vst v63  }
0x170: {  	_ =	swait.ge [sflag:s29], $0x8000  }
0x171: {  	[sflag:s29] =	ssyncset.done $0x0  }
0x172: {  	[sflag:s29] =	ssyncadd.s32 $0xFFFF8000  }
0x173: {  	v3 =	vld [tilespmem:$0xE0];
	_ =	sdelay $0x4  }
0x174: {  	v46 =	vshll.u32 v3, $0x3  }
0x175: {  	v3 =	vand.u32 $0x7, v3;
	v4 =	vand.u32 $0xFFFFFFC0, v46  }
0x176: {  	v3 =	vor.u32 v3, v4  }
0x177: {  	v4 =	vperm.xlane v3, v0;
	_ =	sdelay $0x1  }
0x178: {  	v4 =	vadd.s32 v1, v4;
	_ =	sdelay $0x4  }
0x179: {  	[tilespmem:s30], [sflag:$0x2] =	stream.indirect_vreg.gather [hbm4b:s2+s3], $0x80, v4, vm0, $0xb8;
	[tilespmem:$0x18200] =	vst v63  }
0x17a: {  	s0 =	simm.s32 $0x8A00;
	v3 =	vperm.xlane v3, v2  }
0x17b: {  	[tilespmem:s0], [sflag:$0x2] =	stream.indirect_vreg.gather [hbm4b:s5+s3], $0x80, v4, vm0, $0xb8;
	[tilespmem:$0x18200] =	vst v63  }
0x17c: {  	v3 =	vadd.s32 v1, v3;
	s0 =	simm.s32 $0x9200  }
0x17d: {  	[tilespmem:s0], [sflag:$0x2] =	stream.indirect_vreg.gather [hbm4b:s6+s3], $0x80, v4, vm0, $0xb8;
	[tilespmem:$0x18200] =	vst v63  }
0x17e: {  	s0 =	simm.s32 $0x9A00  }
0x17f: {  	[tilespmem:s0], [sflag:$0x2] =	stream.indirect_vreg.gather [hbm4b:s7+s3], $0x80, v4, vm0, $0xb8;
	[tilespmem:$0x18200] =	vst v63  }
0x180: {  	s0 =	simm.s32 $0xA200  }
0x181: {  	[tilespmem:s0], [sflag:$0x2] =	stream.indirect_vreg.gather [hbm4b:s2+s3], $0x80, v3, vm0, $0xb8;
	[tilespmem:$0x18200] =	vst v63  }
0x182: {  	s0 =	simm.s32 $0xAA00  }
0x183: {  	[tilespmem:s0], [sflag:$0x2] =	stream.indirect_vreg.gather [hbm4b:s5+s3], $0x80, v3, vm0, $0xb8;
	[tilespmem:$0x18200] =	vst v63  }
0x184: {  	s0 =	simm.s32 $0xB200  }
0x185: {  	[tilespmem:s0], [sflag:$0x2] =	stream.indirect_vreg.gather [hbm4b:s6+s3], $0x80, v3, vm0, $0xb8;
	[tilespmem:$0x18200] =	vst v63  }
0x186: {  	s0 =	simm.s32 $0xBA00  }
0x187: {  	[tilespmem:s0], [sflag:$0x2] =	stream.indirect_vreg.gather [hbm4b:s7+s3], $0x80, v3, vm0, $0xb8;
	[tilespmem:$0x18200] =	vst v63  }
0x188: {  	v3 =	vld [tilespmem:$0xF0];
	_ =	sdelay $0x4  }
0x189: {  	v47 =	vshll.u32 v3, $0x3  }
0x18a: {  	v3 =	vand.u32 $0x7, v3;
	v4 =	vand.u32 $0xFFFFFFC0, v47  }
0x18b: {  	v3 =	vor.u32 v3, v4  }
0x18c: {  	v4 =	vperm.xlane v3, v0;
	_ =	sdelay $0x1  }
0x18d: {  	v4 =	vadd.s32 v1, v4;
	_ =	sdelay $0x3  }
0x18e: {  	s0 =	simm.s32 $0xC200  }
0x18f: {  	[tilespmem:s0], [sflag:$0x2] =	stream.indirect_vreg.gather [hbm4b:s2+s3], $0x80, v4, vm0, $0xb8;
	[tilespmem:$0x18200] =	vst v63  }
0x190: {  	v3 =	vperm.xlane v3, v2;
	s0 =	simm.s32 $0xCA00  }
0x191: {  	[tilespmem:s0], [sflag:$0x2] =	stream.indirect_vreg.gather [hbm4b:s5+s3], $0x80, v4, vm0, $0xb8;
	[tilespmem:$0x18200] =	vst v63  }
0x192: {  	v3 =	vadd.s32 v1, v3;
	s0 =	simm.s32 $0xD200  }
0x193: {  	[tilespmem:s0], [sflag:$0x2] =	stream.indirect_vreg.gather [hbm4b:s6+s3], $0x80, v4, vm0, $0xb8;
	[tilespmem:$0x18200] =	vst v63  }
0x194: {  	s0 =	simm.s32 $0xDA00  }
0x195: {  	[tilespmem:s0], [sflag:$0x2] =	stream.indirect_vreg.gather [hbm4b:s7+s3], $0x80, v4, vm0, $0xb8;
	[tilespmem:$0x18200] =	vst v63  }
0x196: {  	s0 =	simm.s32 $0xE200  }
0x197: {  	[tilespmem:s0], [sflag:$0x2] =	stream.indirect_vreg.gather [hbm4b:s2+s3], $0x80, v3, vm0, $0xb8;
	[tilespmem:$0x18200] =	vst v63  }
0x198: {  	s0 =	simm.s32 $0xEA00  }
0x199: {  	[tilespmem:s0], [sflag:$0x2] =	stream.indirect_vreg.gather [hbm4b:s5+s3], $0x80, v3, vm0, $0xb8;
	[tilespmem:$0x18200] =	vst v63  }
0x19a: {  	s0 =	simm.s32 $0xF200  }
0x19b: {  	[tilespmem:s0], [sflag:$0x2] =	stream.indirect_vreg.gather [hbm4b:s6+s3], $0x80, v3, vm0, $0xb8;
	[tilespmem:$0x18200] =	vst v63  }
0x19c: {  	s0 =	simm.s32 $0xFA00  }
0x19d: {  	[tilespmem:s0], [sflag:$0x2] =	stream.indirect_vreg.gather [hbm4b:s7+s3], $0x80, v3, vm0, $0xb8;
	[tilespmem:$0x18200] =	vst v63  }
0x19e: {  	_ =	swait.ge [sflag:s31], $0x8000  }
0x19f: {  	[sflag:s31] =	ssyncset.done $0x0  }
0x1a0: {  	s0 =	rddreg [dreg:$0xa];
	[sflag:s31] =	ssyncadd.s32 $0xFFFF8000  }
0x1a1: {  	[hbm4b:s0+s3] =	stream.linear.scatter [tilespmem:s10], [sflag:$0x6], $0x8000, $0x38;
	[tilespmem:$0x18200] =	vst v63  }
0x1a2: {  	_ =	swait.ge [sflag:s1], $0x8000  }
0x1a3: {  	[sflag:s1] =	ssyncset.done $0x0  }
0x1a4: {  	[sflag:s1] =	ssyncadd.s32 $0xFFFF8000  }
0x1a5: {  	v3 =	vld [tilespmem:$0x100];
	_ =	sdelay $0x4  }
0x1a6: {  	v48 =	vshll.u32 v3, $0x3  }
0x1a7: {  	v3 =	vand.u32 $0x7, v3;
	v4 =	vand.u32 $0xFFFFFFC0, v48  }
0x1a8: {  	v3 =	vor.u32 v3, v4  }
0x1a9: {  	v4 =	vperm.xlane v3, v0;
	_ =	sdelay $0x1  }
0x1aa: {  	v4 =	vadd.s32 v1, v4;
	_ =	sdelay $0x4  }
0x1ab: {  	[tilespmem:s10], [sflag:$0x3] =	stream.indirect_vreg.gather [hbm4b:s2+s3], $0x80, v4, vm0, $0xb8;
	[tilespmem:$0x18200] =	vst v63  }
0x1ac: {  	s0 =	simm.s32 $0x10A00;
	v3 =	vperm.xlane v3, v2  }
0x1ad: {  	[tilespmem:s0], [sflag:$0x3] =	stream.indirect_vreg.gather [hbm4b:s5+s3], $0x80, v4, vm0, $0xb8;
	[tilespmem:$0x18200] =	vst v63  }
0x1ae: {  	v3 =	vadd.s32 v1, v3;
	s0 =	simm.s32 $0x11200  }
0x1af: {  	[tilespmem:s0], [sflag:$0x3] =	stream.indirect_vreg.gather [hbm4b:s6+s3], $0x80, v4, vm0, $0xb8;
	[tilespmem:$0x18200] =	vst v63  }
0x1b0: {  	s0 =	simm.s32 $0x11A00  }
0x1b1: {  	[tilespmem:s0], [sflag:$0x3] =	stream.indirect_vreg.gather [hbm4b:s7+s3], $0x80, v4, vm0, $0xb8;
	[tilespmem:$0x18200] =	vst v63  }
0x1b2: {  	s0 =	simm.s32 $0x12200  }
0x1b3: {  	[tilespmem:s0], [sflag:$0x3] =	stream.indirect_vreg.gather [hbm4b:s2+s3], $0x80, v3, vm0, $0xb8;
	[tilespmem:$0x18200] =	vst v63  }
0x1b4: {  	s0 =	simm.s32 $0x12A00  }
0x1b5: {  	[tilespmem:s0], [sflag:$0x3] =	stream.indirect_vreg.gather [hbm4b:s5+s3], $0x80, v3, vm0, $0xb8;
	[tilespmem:$0x18200] =	vst v63  }
0x1b6: {  	s0 =	simm.s32 $0x13200  }
0x1b7: {  	[tilespmem:s0], [sflag:$0x3] =	stream.indirect_vreg.gather [hbm4b:s6+s3], $0x80, v3, vm0, $0xb8;
	[tilespmem:$0x18200] =	vst v63  }
0x1b8: {  	s0 =	simm.s32 $0x13A00  }
0x1b9: {  	[tilespmem:s0], [sflag:$0x3] =	stream.indirect_vreg.gather [hbm4b:s7+s3], $0x80, v3, vm0, $0xb8;
	[tilespmem:$0x18200] =	vst v63  }
0x1ba: {  	v3 =	vld [tilespmem:$0x110];
	_ =	sdelay $0x4  }
0x1bb: {  	v49 =	vshll.u32 v3, $0x3  }
0x1bc: {  	v3 =	vand.u32 $0x7, v3;
	v4 =	vand.u32 $0xFFFFFFC0, v49  }
0x1bd: {  	v3 =	vor.u32 v3, v4  }
0x1be: {  	v4 =	vperm.xlane v3, v0;
	_ =	sdelay $0x1  }
0x1bf: {  	v4 =	vadd.s32 v1, v4;
	_ =	sdelay $0x3  }
0x1c0: {  	s0 =	simm.s32 $0x14200  }
0x1c1: {  	[tilespmem:s0], [sflag:$0x3] =	stream.indirect_vreg.gather [hbm4b:s2+s3], $0x80, v4, vm0, $0xb8;
	[tilespmem:$0x18200] =	vst v63  }
0x1c2: {  	v3 =	vperm.xlane v3, v2;
	s0 =	simm.s32 $0x14A00  }
0x1c3: {  	[tilespmem:s0], [sflag:$0x3] =	stream.indirect_vreg.gather [hbm4b:s5+s3], $0x80, v4, vm0, $0xb8;
	[tilespmem:$0x18200] =	vst v63  }
0x1c4: {  	v3 =	vadd.s32 v1, v3;
	s0 =	simm.s32 $0x15200  }
0x1c5: {  	[tilespmem:s0], [sflag:$0x3] =	stream.indirect_vreg.gather [hbm4b:s6+s3], $0x80, v4, vm0, $0xb8;
	[tilespmem:$0x18200] =	vst v63  }
0x1c6: {  	s0 =	simm.s32 $0x15A00  }
0x1c7: {  	[tilespmem:s0], [sflag:$0x3] =	stream.indirect_vreg.gather [hbm4b:s7+s3], $0x80, v4, vm0, $0xb8;
	[tilespmem:$0x18200] =	vst v63  }
0x1c8: {  	s0 =	simm.s32 $0x16200  }
0x1c9: {  	[tilespmem:s0], [sflag:$0x3] =	stream.indirect_vreg.gather [hbm4b:s2+s3], $0x80, v3, vm0, $0xb8;
	[tilespmem:$0x18200] =	vst v63  }
0x1ca: {  	s0 =	simm.s32 $0x16A00  }
0x1cb: {  	[tilespmem:s0], [sflag:$0x3] =	stream.indirect_vreg.gather [hbm4b:s5+s3], $0x80, v3, vm0, $0xb8;
	[tilespmem:$0x18200] =	vst v63  }
0x1cc: {  	s0 =	simm.s32 $0x17200  }
0x1cd: {  	[tilespmem:s0], [sflag:$0x3] =	stream.indirect_vreg.gather [hbm4b:s6+s3], $0x80, v3, vm0, $0xb8;
	[tilespmem:$0x18200] =	vst v63  }
0x1ce: {  	s0 =	simm.s32 $0x17A00  }
0x1cf: {  	[tilespmem:s0], [sflag:$0x3] =	stream.indirect_vreg.gather [hbm4b:s7+s3], $0x80, v3, vm0, $0xb8;
	[tilespmem:$0x18200] =	vst v63  }
0x1d0: {  	_ =	swait.ge [sflag:s4], $0x8000  }
0x1d1: {  	[sflag:s4] =	ssyncset.done $0x0  }
0x1d2: {  	s0 =	rddreg [dreg:$0xb];
	[sflag:s4] =	ssyncadd.s32 $0xFFFF8000  }
0x1d3: {  	[hbm4b:s0+s3] =	stream.linear.scatter [tilespmem:s25], [sflag:$0x4], $0x8000, $0x38;
	[tilespmem:$0x18200] =	vst v63  }
0x1d4: {  	_ =	swait.ge [sflag:s26], $0x8000  }
0x1d5: {  	[sflag:s26] =	ssyncset.done $0x0  }
0x1d6: {  	[sflag:s26] =	ssyncadd.s32 $0xFFFF8000  }
0x1d7: {  	v3 =	vld [tilespmem:$0x120];
	_ =	sdelay $0x4  }
0x1d8: {  	v50 =	vshll.u32 v3, $0x3  }
0x1d9: {  	v3 =	vand.u32 $0x7, v3;
	v4 =	vand.u32 $0xFFFFFFC0, v50  }
0x1da: {  	v3 =	vor.u32 v3, v4  }
0x1db: {  	v4 =	vperm.xlane v3, v0;
	_ =	sdelay $0x1  }
0x1dc: {  	v4 =	vadd.s32 v1, v4;
	_ =	sdelay $0x4  }
0x1dd: {  	[tilespmem:s25], [sflag:$0x1] =	stream.indirect_vreg.gather [hbm4b:s2+s3], $0x80, v4, vm0, $0xb8;
	[tilespmem:$0x18200] =	vst v63  }
0x1de: {  	s28 =	simm.s32 $0xA00;
	v3 =	vperm.xlane v3, v2  }
0x1df: {  	[tilespmem:s28], [sflag:$0x1] =	stream.indirect_vreg.gather [hbm4b:s5+s3], $0x80, v4, vm0, $0xb8;
	[tilespmem:$0x18200] =	vst v63  }
0x1e0: {  	s11 =	simm.s32 $0x1200;
	v3 =	vadd.s32 v1, v3  }
0x1e1: {  	[tilespmem:s11], [sflag:$0x1] =	stream.indirect_vreg.gather [hbm4b:s6+s3], $0x80, v4, vm0, $0xb8;
	[tilespmem:$0x18200] =	vst v63  }
0x1e2: {  	s12 =	simm.s32 $0x1A00  }
0x1e3: {  	[tilespmem:s12], [sflag:$0x1] =	stream.indirect_vreg.gather [hbm4b:s7+s3], $0x80, v4, vm0, $0xb8;
	[tilespmem:$0x18200] =	vst v63  }
0x1e4: {  	s13 =	simm.s32 $0x2200  }
0x1e5: {  	[tilespmem:s13], [sflag:$0x1] =	stream.indirect_vreg.gather [hbm4b:s2+s3], $0x80, v3, vm0, $0xb8;
	[tilespmem:$0x18200] =	vst v63  }
0x1e6: {  	s14 =	simm.s32 $0x2A00  }
0x1e7: {  	[tilespmem:s14], [sflag:$0x1] =	stream.indirect_vreg.gather [hbm4b:s5+s3], $0x80, v3, vm0, $0xb8;
	[tilespmem:$0x18200] =	vst v63  }
0x1e8: {  	s15 =	simm.s32 $0x3200  }
0x1e9: {  	[tilespmem:s15], [sflag:$0x1] =	stream.indirect_vreg.gather [hbm4b:s6+s3], $0x80, v3, vm0, $0xb8;
	[tilespmem:$0x18200] =	vst v63  }
0x1ea: {  	s21 =	simm.s32 $0x3A00  }
0x1eb: {  	[tilespmem:s21], [sflag:$0x1] =	stream.indirect_vreg.gather [hbm4b:s7+s3], $0x80, v3, vm0, $0xb8;
	[tilespmem:$0x18200] =	vst v63  }
0x1ec: {  	v3 =	vld [tilespmem:$0x130];
	_ =	sdelay $0x4  }
0x1ed: {  	v51 =	vshll.u32 v3, $0x3  }
0x1ee: {  	v3 =	vand.u32 $0x7, v3;
	v4 =	vand.u32 $0xFFFFFFC0, v51  }
0x1ef: {  	v3 =	vor.u32 v3, v4  }
0x1f0: {  	v4 =	vperm.xlane v3, v0;
	_ =	sdelay $0x1  }
0x1f1: {  	v4 =	vadd.s32 v1, v4;
	_ =	sdelay $0x3  }
0x1f2: {  	s22 =	simm.s32 $0x4200  }
0x1f3: {  	[tilespmem:s22], [sflag:$0x1] =	stream.indirect_vreg.gather [hbm4b:s2+s3], $0x80, v4, vm0, $0xb8;
	[tilespmem:$0x18200] =	vst v63  }
0x1f4: {  	s23 =	simm.s32 $0x4A00;
	v3 =	vperm.xlane v3, v2  }
0x1f5: {  	[tilespmem:s23], [sflag:$0x1] =	stream.indirect_vreg.gather [hbm4b:s5+s3], $0x80, v4, vm0, $0xb8;
	[tilespmem:$0x18200] =	vst v63  }
0x1f6: {  	s16 =	simm.s32 $0x5200;
	v3 =	vadd.s32 v1, v3  }
0x1f7: {  	[tilespmem:s16], [sflag:$0x1] =	stream.indirect_vreg.gather [hbm4b:s6+s3], $0x80, v4, vm0, $0xb8;
	[tilespmem:$0x18200] =	vst v63  }
0x1f8: {  	s17 =	simm.s32 $0x5A00  }
0x1f9: {  	[tilespmem:s17], [sflag:$0x1] =	stream.indirect_vreg.gather [hbm4b:s7+s3], $0x80, v4, vm0, $0xb8;
	[tilespmem:$0x18200] =	vst v63  }
0x1fa: {  	s18 =	simm.s32 $0x6200  }
0x1fb: {  	[tilespmem:s18], [sflag:$0x1] =	stream.indirect_vreg.gather [hbm4b:s2+s3], $0x80, v3, vm0, $0xb8;
	[tilespmem:$0x18200] =	vst v63  }
0x1fc: {  	s19 =	simm.s32 $0x6A00  }
0x1fd: {  	[tilespmem:s19], [sflag:$0x1] =	stream.indirect_vreg.gather [hbm4b:s5+s3], $0x80, v3, vm0, $0xb8;
	[tilespmem:$0x18200] =	vst v63  }
0x1fe: {  	s20 =	simm.s32 $0x7200  }
0x1ff: {  	[tilespmem:s20], [sflag:$0x1] =	stream.indirect_vreg.gather [hbm4b:s6+s3], $0x80, v3, vm0, $0xb8;
	[tilespmem:$0x18200] =	vst v63  }
0x200: {  	s24 =	simm.s32 $0x7A00  }
0x201: {  	[tilespmem:s24], [sflag:$0x1] =	stream.indirect_vreg.gather [hbm4b:s7+s3], $0x80, v3, vm0, $0xb8;
	[tilespmem:$0x18200] =	vst v63  }
0x202: {  	_ =	swait.ge [sflag:s9], $0x8000  }
0x203: {  	[sflag:s9] =	ssyncset.done $0x0  }
0x204: {  	s21 =	rddreg [dreg:$0xc];
	[sflag:s9] =	ssyncadd.s32 $0xFFFF8000  }
0x205: {  	[hbm4b:s21+s3] =	stream.linear.scatter [tilespmem:s30], [sflag:$0x5], $0x8000, $0x38;
	[tilespmem:$0x18200] =	vst v63  }
0x206: {  	_ =	swait.ge [sflag:s29], $0x8000  }
0x207: {  	[sflag:s29] =	ssyncset.done $0x0  }
0x208: {  	[sflag:s29] =	ssyncadd.s32 $0xFFFF8000  }
0x209: {  	v3 =	vld [tilespmem:$0x140];
	_ =	sdelay $0x4  }
0x20a: {  	v52 =	vshll.u32 v3, $0x3  }
0x20b: {  	v3 =	vand.u32 $0x7, v3;
	v4 =	vand.u32 $0xFFFFFFC0, v52  }
0x20c: {  	v3 =	vor.u32 v3, v4  }
0x20d: {  	v4 =	vperm.xlane v3, v0;
	_ =	sdelay $0x1  }
0x20e: {  	v4 =	vadd.s32 v1, v4;
	_ =	sdelay $0x4  }
0x20f: {  	[tilespmem:s30], [sflag:$0x2] =	stream.indirect_vreg.gather [hbm4b:s2+s3], $0x80, v4, vm0, $0xb8;
	[tilespmem:$0x18200] =	vst v63  }
0x210: {  	s23 =	simm.s32 $0x8A00;
	v3 =	vperm.xlane v3, v2  }
0x211: {  	[tilespmem:s23], [sflag:$0x2] =	stream.indirect_vreg.gather [hbm4b:s5+s3], $0x80, v4, vm0, $0xb8;
	[tilespmem:$0x18200] =	vst v63  }
0x212: {  	s24 =	simm.s32 $0x9200;
	v3 =	vadd.s32 v1, v3  }
0x213: {  	[tilespmem:s24], [sflag:$0x2] =	stream.indirect_vreg.gather [hbm4b:s6+s3], $0x80, v4, vm0, $0xb8;
	[tilespmem:$0x18200] =	vst v63  }
0x214: {  	s21 =	simm.s32 $0x9A00  }
0x215: {  	[tilespmem:s21], [sflag:$0x2] =	stream.indirect_vreg.gather [hbm4b:s7+s3], $0x80, v4, vm0, $0xb8;
	[tilespmem:$0x18200] =	vst v63  }
0x216: {  	s23 =	simm.s32 $0xA200  }
0x217: {  	[tilespmem:s23], [sflag:$0x2] =	stream.indirect_vreg.gather [hbm4b:s2+s3], $0x80, v3, vm0, $0xb8;
	[tilespmem:$0x18200] =	vst v63  }
0x218: {  	s24 =	simm.s32 $0xAA00  }
0x219: {  	[tilespmem:s24], [sflag:$0x2] =	stream.indirect_vreg.gather [hbm4b:s5+s3], $0x80, v3, vm0, $0xb8;
	[tilespmem:$0x18200] =	vst v63  }
0x21a: {  	s21 =	simm.s32 $0xB200  }
0x21b: {  	[tilespmem:s21], [sflag:$0x2] =	stream.indirect_vreg.gather [hbm4b:s6+s3], $0x80, v3, vm0, $0xb8;
	[tilespmem:$0x18200] =	vst v63  }
0x21c: {  	s23 =	simm.s32 $0xBA00  }
0x21d: {  	[tilespmem:s23], [sflag:$0x2] =	stream.indirect_vreg.gather [hbm4b:s7+s3], $0x80, v3, vm0, $0xb8;
	[tilespmem:$0x18200] =	vst v63  }
0x21e: {  	v3 =	vld [tilespmem:$0x150];
	_ =	sdelay $0x4  }
0x21f: {  	v53 =	vshll.u32 v3, $0x3  }
0x220: {  	v3 =	vand.u32 $0x7, v3;
	v4 =	vand.u32 $0xFFFFFFC0, v53  }
0x221: {  	v3 =	vor.u32 v3, v4  }
0x222: {  	v4 =	vperm.xlane v3, v0;
	_ =	sdelay $0x1  }
0x223: {  	v4 =	vadd.s32 v1, v4;
	_ =	sdelay $0x3  }
0x224: {  	s24 =	simm.s32 $0xC200  }
0x225: {  	[tilespmem:s24], [sflag:$0x2] =	stream.indirect_vreg.gather [hbm4b:s2+s3], $0x80, v4, vm0, $0xb8;
	[tilespmem:$0x18200] =	vst v63  }
0x226: {  	s21 =	simm.s32 $0xCA00;
	v3 =	vperm.xlane v3, v2  }
0x227: {  	[tilespmem:s21], [sflag:$0x2] =	stream.indirect_vreg.gather [hbm4b:s5+s3], $0x80, v4, vm0, $0xb8;
	[tilespmem:$0x18200] =	vst v63  }
0x228: {  	s23 =	simm.s32 $0xD200;
	v3 =	vadd.s32 v1, v3  }
0x229: {  	[tilespmem:s23], [sflag:$0x2] =	stream.indirect_vreg.gather [hbm4b:s6+s3], $0x80, v4, vm0, $0xb8;
	[tilespmem:$0x18200] =	vst v63  }
0x22a: {  	s24 =	simm.s32 $0xDA00  }
0x22b: {  	[tilespmem:s24], [sflag:$0x2] =	stream.indirect_vreg.gather [hbm4b:s7+s3], $0x80, v4, vm0, $0xb8;
	[tilespmem:$0x18200] =	vst v63  }
0x22c: {  	s21 =	simm.s32 $0xE200  }
0x22d: {  	[tilespmem:s21], [sflag:$0x2] =	stream.indirect_vreg.gather [hbm4b:s2+s3], $0x80, v3, vm0, $0xb8;
	[tilespmem:$0x18200] =	vst v63  }
0x22e: {  	s23 =	simm.s32 $0xEA00  }
0x22f: {  	[tilespmem:s23], [sflag:$0x2] =	stream.indirect_vreg.gather [hbm4b:s5+s3], $0x80, v3, vm0, $0xb8;
	[tilespmem:$0x18200] =	vst v63  }
0x230: {  	s24 =	simm.s32 $0xF200  }
0x231: {  	[tilespmem:s24], [sflag:$0x2] =	stream.indirect_vreg.gather [hbm4b:s6+s3], $0x80, v3, vm0, $0xb8;
	[tilespmem:$0x18200] =	vst v63  }
0x232: {  	s21 =	simm.s32 $0xFA00  }
0x233: {  	[tilespmem:s21], [sflag:$0x2] =	stream.indirect_vreg.gather [hbm4b:s7+s3], $0x80, v3, vm0, $0xb8;
	[tilespmem:$0x18200] =	vst v63  }
0x234: {  	_ =	swait.ge [sflag:s31], $0x8000  }
0x235: {  	[sflag:s31] =	ssyncset.done $0x0  }
0x236: {  	s23 =	rddreg [dreg:$0xd];
	[sflag:s31] =	ssyncadd.s32 $0xFFFF8000  }
0x237: {  	[hbm4b:s23+s3] =	stream.linear.scatter [tilespmem:s10], [sflag:$0x6], $0x8000, $0x38;
	[tilespmem:$0x18200] =	vst v63  }
0x238: {  	_ =	swait.ge [sflag:s1], $0x8000  }
0x239: {  	[sflag:s1] =	ssyncset.done $0x0  }
0x23a: {  	[sflag:s1] =	ssyncadd.s32 $0xFFFF8000  }
0x23b: {  	v3 =	vld [tilespmem:$0x160];
	_ =	sdelay $0x4  }
0x23c: {  	v54 =	vshll.u32 v3, $0x3  }
0x23d: {  	v3 =	vand.u32 $0x7, v3;
	v4 =	vand.u32 $0xFFFFFFC0, v54  }
0x23e: {  	v3 =	vor.u32 v3, v4  }
0x23f: {  	v4 =	vperm.xlane v3, v0;
	_ =	sdelay $0x1  }
0x240: {  	v4 =	vadd.s32 v1, v4;
	_ =	sdelay $0x4  }
0x241: {  	[tilespmem:s10], [sflag:$0x3] =	stream.indirect_vreg.gather [hbm4b:s2+s3], $0x80, v4, vm0, $0xb8;
	[tilespmem:$0x18200] =	vst v63  }
0x242: {  	s24 =	simm.s32 $0x10A00;
	v3 =	vperm.xlane v3, v2  }
0x243: {  	[tilespmem:s24], [sflag:$0x3] =	stream.indirect_vreg.gather [hbm4b:s5+s3], $0x80, v4, vm0, $0xb8;
	[tilespmem:$0x18200] =	vst v63  }
0x244: {  	s21 =	simm.s32 $0x11200;
	v3 =	vadd.s32 v1, v3  }
0x245: {  	[tilespmem:s21], [sflag:$0x3] =	stream.indirect_vreg.gather [hbm4b:s6+s3], $0x80, v4, vm0, $0xb8;
	[tilespmem:$0x18200] =	vst v63  }
0x246: {  	s23 =	simm.s32 $0x11A00  }
0x247: {  	[tilespmem:s23], [sflag:$0x3] =	stream.indirect_vreg.gather [hbm4b:s7+s3], $0x80, v4, vm0, $0xb8;
	[tilespmem:$0x18200] =	vst v63  }
0x248: {  	s24 =	simm.s32 $0x12200  }
0x249: {  	[tilespmem:s24], [sflag:$0x3] =	stream.indirect_vreg.gather [hbm4b:s2+s3], $0x80, v3, vm0, $0xb8;
	[tilespmem:$0x18200] =	vst v63  }
0x24a: {  	s21 =	simm.s32 $0x12A00  }
0x24b: {  	[tilespmem:s21], [sflag:$0x3] =	stream.indirect_vreg.gather [hbm4b:s5+s3], $0x80, v3, vm0, $0xb8;
	[tilespmem:$0x18200] =	vst v63  }
0x24c: {  	s23 =	simm.s32 $0x13200  }
0x24d: {  	[tilespmem:s23], [sflag:$0x3] =	stream.indirect_vreg.gather [hbm4b:s6+s3], $0x80, v3, vm0, $0xb8;
	[tilespmem:$0x18200] =	vst v63  }
0x24e: {  	s24 =	simm.s32 $0x13A00  }
0x24f: {  	[tilespmem:s24], [sflag:$0x3] =	stream.indirect_vreg.gather [hbm4b:s7+s3], $0x80, v3, vm0, $0xb8;
	[tilespmem:$0x18200] =	vst v63  }
0x250: {  	v3 =	vld [tilespmem:$0x170];
	_ =	sdelay $0x4  }
0x251: {  	v55 =	vshll.u32 v3, $0x3  }
0x252: {  	v3 =	vand.u32 $0x7, v3;
	v4 =	vand.u32 $0xFFFFFFC0, v55  }
0x253: {  	v3 =	vor.u32 v3, v4  }
0x254: {  	v4 =	vperm.xlane v3, v0;
	_ =	sdelay $0x1  }
0x255: {  	v4 =	vadd.s32 v1, v4;
	_ =	sdelay $0x3  }
0x256: {  	s21 =	simm.s32 $0x14200  }
0x257: {  	[tilespmem:s21], [sflag:$0x3] =	stream.indirect_vreg.gather [hbm4b:s2+s3], $0x80, v4, vm0, $0xb8;
	[tilespmem:$0x18200] =	vst v63  }
0x258: {  	s23 =	simm.s32 $0x14A00;
	v3 =	vperm.xlane v3, v2  }
0x259: {  	[tilespmem:s23], [sflag:$0x3] =	stream.indirect_vreg.gather [hbm4b:s5+s3], $0x80, v4, vm0, $0xb8;
	[tilespmem:$0x18200] =	vst v63  }
0x25a: {  	s24 =	simm.s32 $0x15200;
	v3 =	vadd.s32 v1, v3  }
0x25b: {  	[tilespmem:s24], [sflag:$0x3] =	stream.indirect_vreg.gather [hbm4b:s6+s3], $0x80, v4, vm0, $0xb8;
	[tilespmem:$0x18200] =	vst v63  }
0x25c: {  	s21 =	simm.s32 $0x15A00  }
0x25d: {  	[tilespmem:s21], [sflag:$0x3] =	stream.indirect_vreg.gather [hbm4b:s7+s3], $0x80, v4, vm0, $0xb8;
	[tilespmem:$0x18200] =	vst v63  }
0x25e: {  	s23 =	simm.s32 $0x16200  }
0x25f: {  	[tilespmem:s23], [sflag:$0x3] =	stream.indirect_vreg.gather [hbm4b:s2+s3], $0x80, v3, vm0, $0xb8;
	[tilespmem:$0x18200] =	vst v63  }
0x260: {  	s24 =	simm.s32 $0x16A00  }
0x261: {  	[tilespmem:s24], [sflag:$0x3] =	stream.indirect_vreg.gather [hbm4b:s5+s3], $0x80, v3, vm0, $0xb8;
	[tilespmem:$0x18200] =	vst v63  }
0x262: {  	s21 =	simm.s32 $0x17200  }
0x263: {  	[tilespmem:s21], [sflag:$0x3] =	stream.indirect_vreg.gather [hbm4b:s6+s3], $0x80, v3, vm0, $0xb8;
	[tilespmem:$0x18200] =	vst v63  }
0x264: {  	s23 =	simm.s32 $0x17A00  }
0x265: {  	[tilespmem:s23], [sflag:$0x3] =	stream.indirect_vreg.gather [hbm4b:s7+s3], $0x80, v3, vm0, $0xb8;
	[tilespmem:$0x18200] =	vst v63  }
0x266: {  	_ =	swait.ge [sflag:s4], $0x8000  }
0x267: {  	[sflag:s4] =	ssyncset.done $0x0  }
0x268: {  	s24 =	rddreg [dreg:$0xe];
	[sflag:s4] =	ssyncadd.s32 $0xFFFF8000  }
0x269: {  	[hbm4b:s24+s3] =	stream.linear.scatter [tilespmem:s25], [sflag:$0x4], $0x8000, $0x38;
	[tilespmem:$0x18200] =	vst v63  }
0x26a: {  	_ =	swait.ge [sflag:s26], $0x8000  }
0x26b: {  	[sflag:s26] =	ssyncset.done $0x0  }
0x26c: {  	[sflag:s26] =	ssyncadd.s32 $0xFFFF8000  }
0x26d: {  	v3 =	vld [tilespmem:$0x180];
	_ =	sdelay $0x4  }
0x26e: {  	v56 =	vshll.u32 v3, $0x3  }
0x26f: {  	v3 =	vand.u32 $0x7, v3;
	v4 =	vand.u32 $0xFFFFFFC0, v56  }
0x270: {  	v3 =	vor.u32 v3, v4  }
0x271: {  	v4 =	vperm.xlane v3, v0;
	_ =	sdelay $0x1  }
0x272: {  	v4 =	vadd.s32 v1, v4;
	_ =	sdelay $0x4  }
0x273: {  	[tilespmem:s25], [sflag:$0x1] =	stream.indirect_vreg.gather [hbm4b:s2+s3], $0x80, v4, vm0, $0xb8;
	[tilespmem:$0x18200] =	vst v63  }
0x274: {  	s28 =	simm.s32 $0xA00;
	v3 =	vperm.xlane v3, v2  }
0x275: {  	[tilespmem:s28], [sflag:$0x1] =	stream.indirect_vreg.gather [hbm4b:s5+s3], $0x80, v4, vm0, $0xb8;
	[tilespmem:$0x18200] =	vst v63  }
0x276: {  	s11 =	simm.s32 $0x1200;
	v3 =	vadd.s32 v1, v3  }
0x277: {  	[tilespmem:s11], [sflag:$0x1] =	stream.indirect_vreg.gather [hbm4b:s6+s3], $0x80, v4, vm0, $0xb8;
	[tilespmem:$0x18200] =	vst v63  }
0x278: {  	s12 =	simm.s32 $0x1A00  }
0x279: {  	[tilespmem:s12], [sflag:$0x1] =	stream.indirect_vreg.gather [hbm4b:s7+s3], $0x80, v4, vm0, $0xb8;
	[tilespmem:$0x18200] =	vst v63  }
0x27a: {  	s13 =	simm.s32 $0x2200  }
0x27b: {  	[tilespmem:s13], [sflag:$0x1] =	stream.indirect_vreg.gather [hbm4b:s2+s3], $0x80, v3, vm0, $0xb8;
	[tilespmem:$0x18200] =	vst v63  }
0x27c: {  	s14 =	simm.s32 $0x2A00  }
0x27d: {  	[tilespmem:s14], [sflag:$0x1] =	stream.indirect_vreg.gather [hbm4b:s5+s3], $0x80, v3, vm0, $0xb8;
	[tilespmem:$0x18200] =	vst v63  }
0x27e: {  	s15 =	simm.s32 $0x3200  }
0x27f: {  	[tilespmem:s15], [sflag:$0x1] =	stream.indirect_vreg.gather [hbm4b:s6+s3], $0x80, v3, vm0, $0xb8;
	[tilespmem:$0x18200] =	vst v63  }
0x280: {  	s28 =	simm.s32 $0x3A00  }
0x281: {  	[tilespmem:s28], [sflag:$0x1] =	stream.indirect_vreg.gather [hbm4b:s7+s3], $0x80, v3, vm0, $0xb8;
	[tilespmem:$0x18200] =	vst v63  }
0x282: {  	v3 =	vld [tilespmem:$0x190];
	_ =	sdelay $0x4  }
0x283: {  	v57 =	vshll.u32 v3, $0x3  }
0x284: {  	v3 =	vand.u32 $0x7, v3;
	v4 =	vand.u32 $0xFFFFFFC0, v57  }
0x285: {  	v3 =	vor.u32 v3, v4  }
0x286: {  	v4 =	vperm.xlane v3, v0;
	_ =	sdelay $0x1  }
0x287: {  	v4 =	vadd.s32 v1, v4;
	_ =	sdelay $0x3  }
0x288: {  	s22 =	simm.s32 $0x4200  }
0x289: {  	[tilespmem:s22], [sflag:$0x1] =	stream.indirect_vreg.gather [hbm4b:s2+s3], $0x80, v4, vm0, $0xb8;
	[tilespmem:$0x18200] =	vst v63  }
0x28a: {  	s15 =	simm.s32 $0x4A00;
	v3 =	vperm.xlane v3, v2  }
0x28b: {  	[tilespmem:s15], [sflag:$0x1] =	stream.indirect_vreg.gather [hbm4b:s5+s3], $0x80, v4, vm0, $0xb8;
	[tilespmem:$0x18200] =	vst v63  }
0x28c: {  	s16 =	simm.s32 $0x5200;
	v3 =	vadd.s32 v1, v3  }
0x28d: {  	[tilespmem:s16], [sflag:$0x1] =	stream.indirect_vreg.gather [hbm4b:s6+s3], $0x80, v4, vm0, $0xb8;
	[tilespmem:$0x18200] =	vst v63  }
0x28e: {  	s17 =	simm.s32 $0x5A00  }
0x28f: {  	[tilespmem:s17], [sflag:$0x1] =	stream.indirect_vreg.gather [hbm4b:s7+s3], $0x80, v4, vm0, $0xb8;
	[tilespmem:$0x18200] =	vst v63  }
0x290: {  	s18 =	simm.s32 $0x6200  }
0x291: {  	[tilespmem:s18], [sflag:$0x1] =	stream.indirect_vreg.gather [hbm4b:s2+s3], $0x80, v3, vm0, $0xb8;
	[tilespmem:$0x18200] =	vst v63  }
0x292: {  	s19 =	simm.s32 $0x6A00  }
0x293: {  	[tilespmem:s19], [sflag:$0x1] =	stream.indirect_vreg.gather [hbm4b:s5+s3], $0x80, v3, vm0, $0xb8;
	[tilespmem:$0x18200] =	vst v63  }
0x294: {  	s20 =	simm.s32 $0x7200  }
0x295: {  	[tilespmem:s20], [sflag:$0x1] =	stream.indirect_vreg.gather [hbm4b:s6+s3], $0x80, v3, vm0, $0xb8;
	[tilespmem:$0x18200] =	vst v63  }
0x296: {  	s20 =	simm.s32 $0x7A00  }
0x297: {  	[tilespmem:s20], [sflag:$0x1] =	stream.indirect_vreg.gather [hbm4b:s7+s3], $0x80, v3, vm0, $0xb8;
	[tilespmem:$0x18200] =	vst v63  }
0x298: {  	_ =	swait.ge [sflag:s9], $0x8000  }
0x299: {  	[sflag:s9] =	ssyncset.done $0x0  }
0x29a: {  	s0 =	rddreg [dreg:$0xf];
	[sflag:s9] =	ssyncadd.s32 $0xFFFF8000  }
0x29b: {  	[hbm4b:s0+s3] =	stream.linear.scatter [tilespmem:s30], [sflag:$0x5], $0x8000, $0x38;
	[tilespmem:$0x18200] =	vst v63  }
0x29c: {  	_ =	swait.ge [sflag:s29], $0x8000  }
0x29d: {  	[sflag:s29] =	ssyncset.done $0x0  }
0x29e: {  	[sflag:s29] =	ssyncadd.s32 $0xFFFF8000  }
0x29f: {  	v3 =	vld [tilespmem:$0x1A0];
	_ =	sdelay $0x4  }
0x2a0: {  	v58 =	vshll.u32 v3, $0x3  }
0x2a1: {  	v3 =	vand.u32 $0x7, v3;
	v4 =	vand.u32 $0xFFFFFFC0, v58  }
0x2a2: {  	v3 =	vor.u32 v3, v4  }
0x2a3: {  	v4 =	vperm.xlane v3, v0;
	_ =	sdelay $0x1  }
0x2a4: {  	v4 =	vadd.s32 v1, v4;
	_ =	sdelay $0x4  }
0x2a5: {  	[tilespmem:s30], [sflag:$0x2] =	stream.indirect_vreg.gather [hbm4b:s2+s3], $0x80, v4, vm0, $0xb8;
	[tilespmem:$0x18200] =	vst v63  }
0x2a6: {  	s0 =	simm.s32 $0x8A00;
	v3 =	vperm.xlane v3, v2  }
0x2a7: {  	[tilespmem:s0], [sflag:$0x2] =	stream.indirect_vreg.gather [hbm4b:s5+s3], $0x80, v4, vm0, $0xb8;
	[tilespmem:$0x18200] =	vst v63  }
0x2a8: {  	v3 =	vadd.s32 v1, v3;
	s0 =	simm.s32 $0x9200  }
0x2a9: {  	[tilespmem:s0], [sflag:$0x2] =	stream.indirect_vreg.gather [hbm4b:s6+s3], $0x80, v4, vm0, $0xb8;
	[tilespmem:$0x18200] =	vst v63  }
0x2aa: {  	s0 =	simm.s32 $0x9A00  }
0x2ab: {  	[tilespmem:s0], [sflag:$0x2] =	stream.indirect_vreg.gather [hbm4b:s7+s3], $0x80, v4, vm0, $0xb8;
	[tilespmem:$0x18200] =	vst v63  }
0x2ac: {  	s0 =	simm.s32 $0xA200  }
0x2ad: {  	[tilespmem:s0], [sflag:$0x2] =	stream.indirect_vreg.gather [hbm4b:s2+s3], $0x80, v3, vm0, $0xb8;
	[tilespmem:$0x18200] =	vst v63  }
0x2ae: {  	s0 =	simm.s32 $0xAA00  }
0x2af: {  	[tilespmem:s0], [sflag:$0x2] =	stream.indirect_vreg.gather [hbm4b:s5+s3], $0x80, v3, vm0, $0xb8;
	[tilespmem:$0x18200] =	vst v63  }
0x2b0: {  	s0 =	simm.s32 $0xB200  }
0x2b1: {  	[tilespmem:s0], [sflag:$0x2] =	stream.indirect_vreg.gather [hbm4b:s6+s3], $0x80, v3, vm0, $0xb8;
	[tilespmem:$0x18200] =	vst v63  }
0x2b2: {  	s0 =	simm.s32 $0xBA00  }
0x2b3: {  	[tilespmem:s0], [sflag:$0x2] =	stream.indirect_vreg.gather [hbm4b:s7+s3], $0x80, v3, vm0, $0xb8;
	[tilespmem:$0x18200] =	vst v63  }
0x2b4: {  	v3 =	vld [tilespmem:$0x1B0];
	_ =	sdelay $0x4  }
0x2b5: {  	v59 =	vshll.u32 v3, $0x3  }
0x2b6: {  	v3 =	vand.u32 $0x7, v3;
	v4 =	vand.u32 $0xFFFFFFC0, v59  }
0x2b7: {  	v3 =	vor.u32 v3, v4  }
0x2b8: {  	v4 =	vperm.xlane v3, v0;
	_ =	sdelay $0x1  }
0x2b9: {  	v4 =	vadd.s32 v1, v4;
	_ =	sdelay $0x3  }
0x2ba: {  	s0 =	simm.s32 $0xC200  }
0x2bb: {  	[tilespmem:s0], [sflag:$0x2] =	stream.indirect_vreg.gather [hbm4b:s2+s3], $0x80, v4, vm0, $0xb8;
	[tilespmem:$0x18200] =	vst v63  }
0x2bc: {  	v3 =	vperm.xlane v3, v2;
	s0 =	simm.s32 $0xCA00  }
0x2bd: {  	[tilespmem:s0], [sflag:$0x2] =	stream.indirect_vreg.gather [hbm4b:s5+s3], $0x80, v4, vm0, $0xb8;
	[tilespmem:$0x18200] =	vst v63  }
0x2be: {  	v3 =	vadd.s32 v1, v3;
	s0 =	simm.s32 $0xD200  }
0x2bf: {  	[tilespmem:s0], [sflag:$0x2] =	stream.indirect_vreg.gather [hbm4b:s6+s3], $0x80, v4, vm0, $0xb8;
	[tilespmem:$0x18200] =	vst v63  }
0x2c0: {  	s0 =	simm.s32 $0xDA00  }
0x2c1: {  	[tilespmem:s0], [sflag:$0x2] =	stream.indirect_vreg.gather [hbm4b:s7+s3], $0x80, v4, vm0, $0xb8;
	[tilespmem:$0x18200] =	vst v63  }
0x2c2: {  	s0 =	simm.s32 $0xE200  }
0x2c3: {  	[tilespmem:s0], [sflag:$0x2] =	stream.indirect_vreg.gather [hbm4b:s2+s3], $0x80, v3, vm0, $0xb8;
	[tilespmem:$0x18200] =	vst v63  }
0x2c4: {  	s0 =	simm.s32 $0xEA00  }
0x2c5: {  	[tilespmem:s0], [sflag:$0x2] =	stream.indirect_vreg.gather [hbm4b:s5+s3], $0x80, v3, vm0, $0xb8;
	[tilespmem:$0x18200] =	vst v63  }
0x2c6: {  	s0 =	simm.s32 $0xF200  }
0x2c7: {  	[tilespmem:s0], [sflag:$0x2] =	stream.indirect_vreg.gather [hbm4b:s6+s3], $0x80, v3, vm0, $0xb8;
	[tilespmem:$0x18200] =	vst v63  }
0x2c8: {  	s0 =	simm.s32 $0xFA00  }
0x2c9: {  	[tilespmem:s0], [sflag:$0x2] =	stream.indirect_vreg.gather [hbm4b:s7+s3], $0x80, v3, vm0, $0xb8;
	[tilespmem:$0x18200] =	vst v63  }
0x2ca: {  	_ =	swait.ge [sflag:s31], $0x8000  }
0x2cb: {  	[sflag:s31] =	ssyncset.done $0x0  }
0x2cc: {  	s0 =	rddreg [dreg:$0x10];
	[sflag:s31] =	ssyncadd.s32 $0xFFFF8000  }
0x2cd: {  	[hbm4b:s0+s3] =	stream.linear.scatter [tilespmem:s10], [sflag:$0x6], $0x8000, $0x38;
	[tilespmem:$0x18200] =	vst v63  }
0x2ce: {  	_ =	swait.ge [sflag:s1], $0x8000  }
0x2cf: {  	[sflag:s1] =	ssyncset.done $0x0  }
0x2d0: {  	[sflag:s1] =	ssyncadd.s32 $0xFFFF8000  }
0x2d1: {  	v3 =	vld [tilespmem:$0x1C0];
	_ =	sdelay $0x4  }
0x2d2: {  	v60 =	vshll.u32 v3, $0x3  }
0x2d3: {  	v3 =	vand.u32 $0x7, v3;
	v4 =	vand.u32 $0xFFFFFFC0, v60  }
0x2d4: {  	v3 =	vor.u32 v3, v4  }
0x2d5: {  	v4 =	vperm.xlane v3, v0;
	_ =	sdelay $0x1  }
0x2d6: {  	v4 =	vadd.s32 v1, v4;
	_ =	sdelay $0x4  }
0x2d7: {  	[tilespmem:s10], [sflag:$0x3] =	stream.indirect_vreg.gather [hbm4b:s2+s3], $0x80, v4, vm0, $0xb8;
	[tilespmem:$0x18200] =	vst v63  }
0x2d8: {  	s0 =	simm.s32 $0x10A00;
	v3 =	vperm.xlane v3, v2  }
0x2d9: {  	[tilespmem:s0], [sflag:$0x3] =	stream.indirect_vreg.gather [hbm4b:s5+s3], $0x80, v4, vm0, $0xb8;
	[tilespmem:$0x18200] =	vst v63  }
0x2da: {  	v3 =	vadd.s32 v1, v3;
	s0 =	simm.s32 $0x11200  }
0x2db: {  	[tilespmem:s0], [sflag:$0x3] =	stream.indirect_vreg.gather [hbm4b:s6+s3], $0x80, v4, vm0, $0xb8;
	[tilespmem:$0x18200] =	vst v63  }
0x2dc: {  	s0 =	simm.s32 $0x11A00  }
0x2dd: {  	[tilespmem:s0], [sflag:$0x3] =	stream.indirect_vreg.gather [hbm4b:s7+s3], $0x80, v4, vm0, $0xb8;
	[tilespmem:$0x18200] =	vst v63  }
0x2de: {  	s0 =	simm.s32 $0x12200  }
0x2df: {  	[tilespmem:s0], [sflag:$0x3] =	stream.indirect_vreg.gather [hbm4b:s2+s3], $0x80, v3, vm0, $0xb8;
	[tilespmem:$0x18200] =	vst v63  }
0x2e0: {  	s0 =	simm.s32 $0x12A00  }
0x2e1: {  	[tilespmem:s0], [sflag:$0x3] =	stream.indirect_vreg.gather [hbm4b:s5+s3], $0x80, v3, vm0, $0xb8;
	[tilespmem:$0x18200] =	vst v63  }
0x2e2: {  	s0 =	simm.s32 $0x13200  }
0x2e3: {  	[tilespmem:s0], [sflag:$0x3] =	stream.indirect_vreg.gather [hbm4b:s6+s3], $0x80, v3, vm0, $0xb8;
	[tilespmem:$0x18200] =	vst v63  }
0x2e4: {  	s0 =	simm.s32 $0x13A00  }
0x2e5: {  	[tilespmem:s0], [sflag:$0x3] =	stream.indirect_vreg.gather [hbm4b:s7+s3], $0x80, v3, vm0, $0xb8;
	[tilespmem:$0x18200] =	vst v63  }
0x2e6: {  	v3 =	vld [tilespmem:$0x1D0];
	_ =	sdelay $0x4  }
0x2e7: {  	v61 =	vshll.u32 v3, $0x3  }
0x2e8: {  	v3 =	vand.u32 $0x7, v3;
	v4 =	vand.u32 $0xFFFFFFC0, v61  }
0x2e9: {  	v3 =	vor.u32 v3, v4  }
0x2ea: {  	v4 =	vperm.xlane v3, v0;
	_ =	sdelay $0x1  }
0x2eb: {  	v4 =	vadd.s32 v1, v4;
	_ =	sdelay $0x3  }
0x2ec: {  	s0 =	simm.s32 $0x14200  }
0x2ed: {  	[tilespmem:s0], [sflag:$0x3] =	stream.indirect_vreg.gather [hbm4b:s2+s3], $0x80, v4, vm0, $0xb8;
	[tilespmem:$0x18200] =	vst v63  }
0x2ee: {  	v3 =	vperm.xlane v3, v2;
	s0 =	simm.s32 $0x14A00  }
0x2ef: {  	[tilespmem:s0], [sflag:$0x3] =	stream.indirect_vreg.gather [hbm4b:s5+s3], $0x80, v4, vm0, $0xb8;
	[tilespmem:$0x18200] =	vst v63  }
0x2f0: {  	v3 =	vadd.s32 v1, v3;
	s0 =	simm.s32 $0x15200  }
0x2f1: {  	[tilespmem:s0], [sflag:$0x3] =	stream.indirect_vreg.gather [hbm4b:s6+s3], $0x80, v4, vm0, $0xb8;
	[tilespmem:$0x18200] =	vst v63  }
0x2f2: {  	s0 =	simm.s32 $0x15A00  }
0x2f3: {  	[tilespmem:s0], [sflag:$0x3] =	stream.indirect_vreg.gather [hbm4b:s7+s3], $0x80, v4, vm0, $0xb8;
	[tilespmem:$0x18200] =	vst v63  }
0x2f4: {  	s0 =	simm.s32 $0x16200  }
0x2f5: {  	[tilespmem:s0], [sflag:$0x3] =	stream.indirect_vreg.gather [hbm4b:s2+s3], $0x80, v3, vm0, $0xb8;
	[tilespmem:$0x18200] =	vst v63  }
0x2f6: {  	s0 =	simm.s32 $0x16A00  }
0x2f7: {  	[tilespmem:s0], [sflag:$0x3] =	stream.indirect_vreg.gather [hbm4b:s5+s3], $0x80, v3, vm0, $0xb8;
	[tilespmem:$0x18200] =	vst v63  }
0x2f8: {  	s0 =	simm.s32 $0x17200  }
0x2f9: {  	[tilespmem:s0], [sflag:$0x3] =	stream.indirect_vreg.gather [hbm4b:s6+s3], $0x80, v3, vm0, $0xb8;
	[tilespmem:$0x18200] =	vst v63  }
0x2fa: {  	s0 =	simm.s32 $0x17A00  }
0x2fb: {  	[tilespmem:s0], [sflag:$0x3] =	stream.indirect_vreg.gather [hbm4b:s7+s3], $0x80, v3, vm0, $0xb8;
	[tilespmem:$0x18200] =	vst v63  }
0x2fc: {  	_ =	swait.ge [sflag:s4], $0x8000  }
0x2fd: {  	[sflag:s4] =	ssyncset.done $0x0  }
0x2fe: {  	s0 =	rddreg [dreg:$0x11];
	[sflag:s4] =	ssyncadd.s32 $0xFFFF8000  }
0x2ff: {  	[hbm4b:s0+s3] =	stream.linear.scatter [tilespmem:s25], [sflag:$0x4], $0x8000, $0x38;
	[tilespmem:$0x18200] =	vst v63  }
0x300: {  	_ =	swait.ge [sflag:s26], $0x8000  }
0x301: {  	[sflag:s26] =	ssyncset.done $0x0  }
0x302: {  	[sflag:s26] =	ssyncadd.s32 $0xFFFF8000  }
0x303: {  	v3 =	vld [tilespmem:$0x1E0];
	_ =	sdelay $0x4  }
0x304: {  	v62 =	vshll.u32 v3, $0x3  }
0x305: {  	v3 =	vand.u32 $0x7, v3;
	v4 =	vand.u32 $0xFFFFFFC0, v62  }
0x306: {  	v3 =	vor.u32 v3, v4  }
0x307: {  	v4 =	vperm.xlane v3, v0;
	_ =	sdelay $0x1  }
0x308: {  	v4 =	vadd.s32 v1, v4;
	_ =	sdelay $0x4  }
0x309: {  	[tilespmem:s25], [sflag:$0x1] =	stream.indirect_vreg.gather [hbm4b:s2+s3], $0x80, v4, vm0, $0xb8;
	[tilespmem:$0x18200] =	vst v63  }
0x30a: {  	s21 =	simm.s32 $0xA00;
	v3 =	vperm.xlane v3, v2  }
0x30b: {  	[tilespmem:s21], [sflag:$0x1] =	stream.indirect_vreg.gather [hbm4b:s5+s3], $0x80, v4, vm0, $0xb8;
	[tilespmem:$0x18200] =	vst v63  }
0x30c: {  	s23 =	simm.s32 $0x1200;
	v3 =	vadd.s32 v1, v3  }
0x30d: {  	[tilespmem:s23], [sflag:$0x1] =	stream.indirect_vreg.gather [hbm4b:s6+s3], $0x80, v4, vm0, $0xb8;
	[tilespmem:$0x18200] =	vst v63  }
0x30e: {  	s11 =	simm.s32 $0x1A00  }
0x30f: {  	[tilespmem:s11], [sflag:$0x1] =	stream.indirect_vreg.gather [hbm4b:s7+s3], $0x80, v4, vm0, $0xb8;
	[tilespmem:$0x18200] =	vst v63  }
0x310: {  	s12 =	simm.s32 $0x2200  }
0x311: {  	[tilespmem:s12], [sflag:$0x1] =	stream.indirect_vreg.gather [hbm4b:s2+s3], $0x80, v3, vm0, $0xb8;
	[tilespmem:$0x18200] =	vst v63  }
0x312: {  	s13 =	simm.s32 $0x2A00  }
0x313: {  	[tilespmem:s13], [sflag:$0x1] =	stream.indirect_vreg.gather [hbm4b:s5+s3], $0x80, v3, vm0, $0xb8;
	[tilespmem:$0x18200] =	vst v63  }
0x314: {  	s14 =	simm.s32 $0x3200  }
0x315: {  	[tilespmem:s14], [sflag:$0x1] =	stream.indirect_vreg.gather [hbm4b:s6+s3], $0x80, v3, vm0, $0xb8;
	[tilespmem:$0x18200] =	vst v63  }
0x316: {  	s28 =	simm.s32 $0x3A00  }
0x317: {  	[tilespmem:s28], [sflag:$0x1] =	stream.indirect_vreg.gather [hbm4b:s7+s3], $0x80, v3, vm0, $0xb8;
	[tilespmem:$0x18200] =	vst v63  }
0x318: {  	v3 =	vld [tilespmem:$0x1F0];
	_ =	sdelay $0x4  }
0x319: {  	v63 =	vshll.u32 v3, $0x3  }
0x31a: {  	v3 =	vand.u32 $0x7, v3;
	v4 =	vand.u32 $0xFFFFFFC0, v63  }
0x31b: {  	v3 =	vor.u32 v3, v4  }
0x31c: {  	v4 =	vperm.xlane v3, v0;
	_ =	sdelay $0x1  }
0x31d: {  	v4 =	vadd.s32 v1, v4;
	_ =	sdelay $0x3  }
0x31e: {  	s22 =	simm.s32 $0x4200  }
0x31f: {  	[tilespmem:s22], [sflag:$0x1] =	stream.indirect_vreg.gather [hbm4b:s2+s3], $0x80, v4, vm0, $0xb8;
	[tilespmem:$0x18200] =	vst v63  }
0x320: {  	s24 =	simm.s32 $0x4A00;
	v3 =	vperm.xlane v3, v2  }
0x321: {  	[tilespmem:s24], [sflag:$0x1] =	stream.indirect_vreg.gather [hbm4b:s5+s3], $0x80, v4, vm0, $0xb8;
	[tilespmem:$0x18200] =	vst v63  }
0x322: {  	s15 =	simm.s32 $0x5200;
	v3 =	vadd.s32 v1, v3  }
0x323: {  	[tilespmem:s15], [sflag:$0x1] =	stream.indirect_vreg.gather [hbm4b:s6+s3], $0x80, v4, vm0, $0xb8;
	[tilespmem:$0x18200] =	vst v63  }
0x324: {  	s16 =	simm.s32 $0x5A00  }
0x325: {  	[tilespmem:s16], [sflag:$0x1] =	stream.indirect_vreg.gather [hbm4b:s7+s3], $0x80, v4, vm0, $0xb8;
	[tilespmem:$0x18200] =	vst v63  }
0x326: {  	s17 =	simm.s32 $0x6200  }
0x327: {  	[tilespmem:s17], [sflag:$0x1] =	stream.indirect_vreg.gather [hbm4b:s2+s3], $0x80, v3, vm0, $0xb8;
	[tilespmem:$0x18200] =	vst v63  }
0x328: {  	s18 =	simm.s32 $0x6A00  }
0x329: {  	[tilespmem:s18], [sflag:$0x1] =	stream.indirect_vreg.gather [hbm4b:s5+s3], $0x80, v3, vm0, $0xb8;
	[tilespmem:$0x18200] =	vst v63  }
0x32a: {  	s19 =	simm.s32 $0x7200  }
0x32b: {  	[tilespmem:s19], [sflag:$0x1] =	stream.indirect_vreg.gather [hbm4b:s6+s3], $0x80, v3, vm0, $0xb8;
	[tilespmem:$0x18200] =	vst v63  }
0x32c: {  	s20 =	simm.s32 $0x7A00  }
0x32d: {  	[tilespmem:s20], [sflag:$0x1] =	stream.indirect_vreg.gather [hbm4b:s7+s3], $0x80, v3, vm0, $0xb8;
	[tilespmem:$0x18200] =	vst v63  }
0x32e: {  	_ =	swait.ge [sflag:s9], $0x8000  }
0x32f: {  	[sflag:s9] =	ssyncset.done $0x0  }
0x330: {  	s23 =	rddreg [dreg:$0x12];
	[sflag:s9] =	ssyncadd.s32 $0xFFFF8000  }
0x331: {  	[hbm4b:s23+s3] =	stream.linear.scatter [tilespmem:s30], [sflag:$0x5], $0x8000, $0x38;
	[tilespmem:$0x18200] =	vst v63  }
0x332: {  	_ =	swait.ge [sflag:s31], $0x8000  }
0x333: {  	[sflag:s31] =	ssyncset.done $0x0  }
0x334: {  	s24 =	rddreg [dreg:$0x13];
	[sflag:s31] =	ssyncadd.s32 $0xFFFF8000  }
0x335: {  	[hbm4b:s24+s3] =	stream.linear.scatter [tilespmem:s10], [sflag:$0x6], $0x8000, $0x38;
	[tilespmem:$0x18200] =	vst v63  }
0x336: {  	_ =	swait.ge [sflag:s4], $0x8000  }
0x337: {  	[sflag:s4] =	ssyncset.done $0x0  }
0x338: {  	s28 =	rddreg [dreg:$0x14];
	[sflag:s4] =	ssyncadd.s32 $0xFFFF8000  }
0x339: {  	[hbm4b:s28+s3] =	stream.linear.scatter [tilespmem:s25], [sflag:$0x4], $0x8000, $0x38;
	[tilespmem:$0x18200] =	vst v63  }
0x33a: {  	_ =	swait.ge [sflag:s29], $0x8000  }
0x33b: {  	[sflag:s29] =	ssyncset.done $0x0  }
0x33c: {  	[sflag:s29] =	ssyncadd.s32 $0xFFFF8000  }
0x33d: {  	p0 =	sne.s32 s8, $0x1;
	_ =	swait.ge [sflag:s1], $0x8000  }
.Ltmp0:
0x33e: {  	[sflag:s1] =	ssyncset.done $0x0;
	(pc) =	sbr.rel @p0 .LBB2_1-.Ltmp0, $4  }
0x33f: {  	[sflag:s1] =	ssyncadd.s32 $0xFFFF8000  }
0x340: {  	_ =	swait.ge [sflag:s26], $0x8000  }
0x341: {  	[sflag:s26] =	ssyncset.done $0x0  }
0x342: {  	s8 =	sadd.s32 $0xFFFFFFFF, s8;
	[sflag:s26] =	ssyncadd.s32 $0xFFFF8000  }
0x343: {  	_ =	sfence.sel $0x180000  }
0x344: {  	[bflag:$0x0] =	sbarrier.arrive $0xFFFF  }
0x345: {  	_ =	strace $0x90000047  }
0x346: {  	s0 =	stileid.u32;
	[bflag:$0x2] =	sbarrier.arrive $0xFFFF  }
0x347: {  	p0 =	sne.s32 s0, $0x0;
	s0 =	rddreg [dreg:$0x3]  }
0x348: {  	s0 =	sadd.s32 @!p0 $0x100000, s0  }
0x349: {  	[sflag:s0] =	ssyncadd.tile.s32 @!p0 $0x1;
	_ =	shalt  }
.Lfunc_end2:
_tile_overlayer_lowered:
.L_overlay_start_2:
0x34a: {  	(tag) =	ssettag $0x2  }
0x34b: {  	s0 =	rddreg [dreg:$0x0];
	s2 =	stileid.u32  }
0x34c: {  	s1 =	rddreg [dreg:$0x1];
	p0 =	sne.s32 s2, $0x0  }
0x34d: {  	s3 =	rddreg [dreg:$0x2];
	[bflag:$0x3] =	sbarrier.arrive $0xFFFF;
	s2 =	simm.s32 @!p0 $0x1C07  }
0x34e: {  	[timem:s3], [sflag:s2] =	dma.local @!p0 [hbm:s0], s1  }
0x34f: {  	s0 =	simm.s32 @!p0 $0x7  }
0x350: {  	_ =	swait.ge @!p0 [sflag:s0], s1  }
0x351: {  	s1 =	ssub.s32 @!p0 $0x0, s1;
	[sflag:s0] =	ssyncset.done @!p0 $0x0  }
0x352: {  	[sflag:s0] =	ssyncadd.s32 @!p0 s1  }
0x353: {  	[bflag:$0x3] =	sbarrier.arrive $0xFFFF  }
0x354: {  	_ =	shalt  }

</sc_bundles>
